<compile_context>
chip_gen: v7x
topology: tpu7x:2x2x1
jax: 0.10.2.dev20260603
libtpu: 0.0.44.dev20260713+nightly
codegen_flags: <defaults>
</compile_context>

<pallas_src>
import functools

import jax
import jax.numpy as jnp
from jax import lax
from jax.experimental import pallas as pl
from jax.experimental.pallas import tpu as pltpu
from jax.experimental.pallas import tpu_sc as plsc

_D = 32
_K = 8192
_N = 8192
_COMMITMENT = 0.25
_TILE_M = 256
_CHUNK = 2048
_DPAD = 128
_TILE_M2 = 1024


def _argmin_body(x_ref, x2_ref, cn_ref, emb_ref, idx_ref, table_ref):
    x = x_ref[...]
    emb = emb_ref[...]
    s_n2 = lax.dot_general((-2.0 * x), emb, (((1,), (0,)), ((), ())),
                           preferred_element_type=jnp.float32)
    dist = (x2_ref[...] + s_n2) + cn_ref[...]
    best_v = jnp.full((dist.shape[0], 1), -jnp.inf, jnp.float32)
    best_i = jnp.zeros((dist.shape[0], 1), jnp.int32)
    for t in range(_K // _CHUNK):
        sl = dist[:, t * _CHUNK:(t + 1) * _CHUNK]
        mn = jnp.min(sl, axis=1, keepdims=True)
        ci = (jnp.argmin(sl, axis=1).astype(jnp.int32)
              + t * _CHUNK)[:, None]
        m = -mn
        take = m > best_v
        best_v = jnp.where(take, m.astype(jnp.bfloat16).astype(jnp.float32),
                           best_v)
        best_i = jnp.where(take, ci, best_i)
    idx_ref[...] = best_i[:, 0]
    i = pl.program_id(0)
    esl = emb_ref[:, pl.ds(i * _TILE_M, _TILE_M)]
    tb = esl.astype(jnp.bfloat16).astype(jnp.float32).T
    table_ref[...] = jnp.concatenate(
        [tb, jnp.zeros((tb.shape[0], _DPAD - _D), jnp.float32)], axis=1)


def _tc_argmin(xf, x2, cn, embedding):
    grid = _N // _TILE_M
    return pl.pallas_call(
        _argmin_body,
        grid=(grid,),
        in_specs=[
            pl.BlockSpec((_TILE_M, _D), lambda i: (i, 0)),
            pl.BlockSpec((_TILE_M, 1), lambda i: (i, 0)),
            pl.BlockSpec((1, _K), lambda i: (0, 0)),
            pl.BlockSpec((_D, _K), lambda i: (0, 0)),
        ],
        out_specs=(
            pl.BlockSpec((_TILE_M,), lambda i: (i,)),
            pl.BlockSpec((_TILE_M, _DPAD), lambda i: (i, 0)),
        ),
        out_shape=(
            jax.ShapeDtypeStruct((_N,), jnp.int32),
            jax.ShapeDtypeStruct((_K, _DPAD), jnp.float32),
        ),
    )(xf, x2, cn, embedding)


def _make_sc_gather_hist():
    info = plsc.get_sparse_core_info()
    nc, ns = info.num_cores, info.num_subcores
    nw = nc * ns
    bpw = _N // nw
    mesh = plsc.VectorSubcoreMesh(core_axis_name="c", subcore_axis_name="s")

    @functools.partial(
        pl.kernel, mesh=mesh,
        out_type=(jax.ShapeDtypeStruct((_N, _DPAD), jnp.float32),
                  jax.ShapeDtypeStruct((nc * _K,), jnp.float32)),
        scratch_types=[
            pltpu.VMEM((bpw,), jnp.int32),
            pltpu.VMEM((bpw, _DPAD), jnp.float32),
            pltpu.VMEM((bpw,), jnp.float32),
            pltpu.VMEM((_K // ns,), jnp.float32),
            pltpu.VMEM_SHARED((_K,), jnp.float32),
            pltpu.SemaphoreType.DMA,
        ],
    )
    def sc_kernel(table_hbm, idx_hbm,
                  q_hbm, counts_hbm, idx_v, rows_v, ones_v, zeros_v,
                  shared, sem):
        cid = lax.axis_index("c")
        sid = lax.axis_index("s")
        wid = sid * nc + cid
        base = wid * bpw
        for j in range(bpw // 16):
            ones_v[pl.ds(j * 16, 16)] = jnp.full((16,), 1.0, jnp.float32)
        for j in range((_K // ns) // 16):
            zeros_v[pl.ds(j * 16, 16)] = jnp.full((16,), 0.0, jnp.float32)
        pltpu.sync_copy(zeros_v, shared.at[pl.ds(sid * (_K // ns), _K // ns)])
        pltpu.sync_copy(idx_hbm.at[pl.ds(base, bpw)], idx_v)
        pltpu.async_copy(table_hbm.at[idx_v], rows_v, sem).wait()
        pltpu.sync_copy(rows_v, q_hbm.at[pl.ds(base, bpw)])
        plsc.subcore_barrier()
        pltpu.sync_copy(ones_v, shared.at[idx_v], add=True)
        plsc.subcore_barrier()
        @pl.when(sid == 0)
        def _():
            pltpu.sync_copy(shared, counts_hbm.at[pl.ds(cid * _K, _K)])

    return sc_kernel, nc


def _finish_body(x_ref, q_ref, counts_ref, qst_ref, loss_ref, perp_ref,
                 sse_ref):
    i = pl.program_id(0)
    n = pl.num_programs(0)
    x = x_ref[...]
    q = q_ref[:, 0:_D]
    qst_ref[...] = x + (q - x)
    diff = q - x
    part = jnp.sum(diff * diff)

    @pl.when(i == 0)
    def _():
        sse_ref[0] = part

    @pl.when(i > 0)
    def _():
        sse_ref[0] = sse_ref[0] + part

    @pl.when(i == n - 1)
    def _():
        m = sse_ref[0] / (_N * _D)
        loss_ref[...] = jnp.broadcast_to(m + _COMMITMENT * m, (1, 1))
        counts = counts_ref[:, 0:_K] + counts_ref[:, _K:2 * _K]
        p = counts * (1.0 / _N)
        ent = jnp.sum(p * jnp.log(p + 1e-10), axis=1, keepdims=True)
        perp_ref[...] = jnp.exp(-ent)


def _tc_finish(xf, q, counts2):
    grid = _N // _TILE_M2
    return pl.pallas_call(
        _finish_body,
        grid=(grid,),
        in_specs=[
            pl.BlockSpec((_TILE_M2, _D), lambda i: (i, 0)),
            pl.BlockSpec((_TILE_M2, _DPAD), lambda i: (i, 0)),
            pl.BlockSpec((1, 2 * _K), lambda i: (0, 0)),
        ],
        out_specs=(
            pl.BlockSpec((_TILE_M2, _D), lambda i: (i, 0)),
            pl.BlockSpec((1, 1), lambda i: (0, 0)),
            pl.BlockSpec((1, 1), lambda i: (0, 0)),
        ),
        out_shape=(
            jax.ShapeDtypeStruct((_N, _D), jnp.float32),
            jax.ShapeDtypeStruct((1, 1), jnp.float32),
            jax.ShapeDtypeStruct((1, 1), jnp.float32),
        ),
        scratch_shapes=[pltpu.SMEM((1,), jnp.float32)],
    )(xf, q, counts2)


def kernel(x, embedding):
    xf = x.reshape(-1, _D)
    x2 = jnp.sum(xf ** 2, axis=1, keepdims=True)
    cn = jnp.sum(embedding ** 2, axis=0, keepdims=True)
    idx, table = _tc_argmin(xf, x2, cn, embedding)
    sc_kernel, nc = _make_sc_gather_hist()
    q, counts2 = sc_kernel(table, idx)
    qst, loss, perp = _tc_finish(xf, q, counts2.reshape(1, nc * _K))
    return (loss[0, 0], qst.reshape(x.shape), perp[0, 0],
            idx.reshape(x.shape[:-1]))

# --- scband reference (transcript-rebuilt; emitter-appended) ---
"""Pipeline reference for scband-vector-quantizer-33474975105238 (READ-ONLY COPY).

The authoritative reference and input builder live on the scoring server;
editing this copy changes nothing except your own understanding.
"""

import jax, jax.numpy as jnp
import numpy as np

NUM_EMBEDDINGS = 8192
EMBEDDING_DIM = 32
COMMITMENT_COST = 0.25


def setup_inputs(seed: int = 0) -> dict:
    key = jax.random.key(seed)
    kx, ke = jax.random.split(key)
    x = jax.random.normal(kx, (8, 1024, EMBEDDING_DIM), dtype=jnp.float32)
    # VarianceScaling(scale=1.0, mode='fan_in', distribution='uniform') on shape [d, K]: fan_in = d
    limit = np.sqrt(3.0 / EMBEDDING_DIM)
    embedding = jax.random.uniform(ke, (EMBEDDING_DIM, NUM_EMBEDDINGS), dtype=jnp.float32, minval=-limit, maxval=limit)
    return {"x": x, "embedding": embedding}


def reference(x, embedding):
    flat_x = x.reshape(-1, EMBEDDING_DIM)
    distances = (
        jnp.sum(flat_x ** 2, axis=1, keepdims=True)
        - 2.0 * (flat_x @ embedding)
        + jnp.sum(embedding ** 2, axis=0, keepdims=True)
    )
    encoding_indices = jnp.argmax(-distances, axis=1)
    encodings = jax.nn.one_hot(encoding_indices, NUM_EMBEDDINGS, dtype=jnp.float32)
    encoding_indices_r = encoding_indices.reshape(x.shape[:-1])
    quantized = encodings @ embedding.T
    quantized = quantized.reshape(x.shape)
    e_latent_loss = jnp.mean((jax.lax.stop_gradient(quantized) - x) ** 2)
    q_latent_loss = jnp.mean((quantized - jax.lax.stop_gradient(x)) ** 2)
    loss = q_latent_loss + COMMITMENT_COST * e_latent_loss
    quantized_st = x + jax.lax.stop_gradient(quantized - x)
    avg_probs = jnp.mean(encodings, axis=0)
    perplexity = jnp.exp(-jnp.sum(avg_probs * jnp.log(avg_probs + 1e-10)))
    return (loss, quantized_st, perplexity, encoding_indices_r)

if __name__ == "__main__":
    import jax
    _d = setup_inputs()
    print(jax.jit(kernel)(*tuple(_d.values())))

</pallas_src>

<mosaic_0001>
#map = affine_map<(d0, d1) -> (0, 0)>
#map1 = affine_map<(d0, d1) -> (0)>
module attributes {stable_mosaic.version = 14 : i64} {
  func.func @sc_kernel(%arg0: i32, %arg1: i32, %arg2: memref<8192x128xf32, #tpu.memory_space<hbm>>, %arg3: memref<8192xi32, #tpu.memory_space<hbm>>, %arg4: memref<8192x128xf32, #tpu.memory_space<hbm>>, %arg5: memref<16384xf32, #tpu.memory_space<hbm>>, %arg6: memref<256xi32, #tpu.memory_space<vmem>>, %arg7: memref<256x128xf32, #tpu.memory_space<vmem>>, %arg8: memref<256xf32, #tpu.memory_space<vmem>>, %arg9: memref<512xf32, #tpu.memory_space<vmem>>, %arg10: memref<8192xf32, #tpu.memory_space<vmem_shared>>, %arg11: memref<!tpu.dma_semaphore, #tpu.memory_space<semaphore_mem>>) attributes {dimension_semantics = [#tpu.dimension_semantics<core_parallel>, #tpu.dimension_semantics<subcore_parallel>], iteration_bounds = array<i64: 2, 16>, scalar_prefetch = 0 : i64, scratch_operands = 6 : i64, tpu.core_type = #tpu.core_type<sc_vector_subcore>, window_params = [{transform_indices = #map}, {transform_indices = #map1}, {transform_indices = #map}, {transform_indices = #map1}]} {
    %mul3A = arith.constant 2 : i32
    %mul3A_0 = arith.muli %arg1, %mul3A : i32
    %add3A = arith.addi %mul3A_0, %arg0 : i32
    %mul3A_1 = arith.constant 256 : i32
    %mul3A_2 = arith.muli %add3A, %mul3A_1 : i32
    %broadcast_in_dim3A = arith.constant 1.000000e+00 : f32
    %broadcast_in_dim3A_3 = vector.broadcast %broadcast_in_dim3A : f32 to vector<16xf32>
    %swap3A = arith.constant 0 : index
    %swap3A_4 = tpu.vector_load %arg8[%swap3A] {strides = array<i32>} : memref<256xf32, #tpu.memory_space<vmem>>, vector<16xf32>,
    %swap3A_5 = vector.shape_cast %swap3A_4 : vector<16xf32> to vector<16xf32>
    %swap3A_6 = vector.shape_cast %broadcast_in_dim3A_3 : vector<16xf32> to vector<16xf32>
    tpu.vector_store %arg8[%swap3A], %swap3A_6 {strides = array<i32>} : memref<256xf32, #tpu.memory_space<vmem>>, vector<16xf32>,
    %broadcast_in_dim3A_7 = arith.constant 1.000000e+00 : f32
    %broadcast_in_dim3A_8 = vector.broadcast %broadcast_in_dim3A_7 : f32 to vector<16xf32>
    %swap3A_9 = arith.constant 16 : index
    %swap3A_10 = tpu.vector_load %arg8[%swap3A_9] {strides = array<i32>} : memref<256xf32, #tpu.memory_space<vmem>>, vector<16xf32>,
    %swap3A_11 = vector.shape_cast %swap3A_10 : vector<16xf32> to vector<16xf32>
    %swap3A_12 = vector.shape_cast %broadcast_in_dim3A_8 : vector<16xf32> to vector<16xf32>
    tpu.vector_store %arg8[%swap3A_9], %swap3A_12 {strides = array<i32>} : memref<256xf32, #tpu.memory_space<vmem>>, vector<16xf32>,
    %broadcast_in_dim3A_13 = arith.constant 1.000000e+00 : f32
    %broadcast_in_dim3A_14 = vector.broadcast %broadcast_in_dim3A_13 : f32 to vector<16xf32>
    %swap3A_15 = arith.constant 32 : index
    %swap3A_16 = tpu.vector_load %arg8[%swap3A_15] {strides = array<i32>} : memref<256xf32, #tpu.memory_space<vmem>>, vector<16xf32>,
    %swap3A_17 = vector.shape_cast %swap3A_16 : vector<16xf32> to vector<16xf32>
    %swap3A_18 = vector.shape_cast %broadcast_in_dim3A_14 : vector<16xf32> to vector<16xf32>
    tpu.vector_store %arg8[%swap3A_15], %swap3A_18 {strides = array<i32>} : memref<256xf32, #tpu.memory_space<vmem>>, vector<16xf32>,
    %broadcast_in_dim3A_19 = arith.constant 1.000000e+00 : f32
    %broadcast_in_dim3A_20 = vector.broadcast %broadcast_in_dim3A_19 : f32 to vector<16xf32>
    %swap3A_21 = arith.constant 48 : index
    %swap3A_22 = tpu.vector_load %arg8[%swap3A_21] {strides = array<i32>} : memref<256xf32, #tpu.memory_space<vmem>>, vector<16xf32>,
    %swap3A_23 = vector.shape_cast %swap3A_22 : vector<16xf32> to vector<16xf32>
    %swap3A_24 = vector.shape_cast %broadcast_in_dim3A_20 : vector<16xf32> to vector<16xf32>
    tpu.vector_store %arg8[%swap3A_21], %swap3A_24 {strides = array<i32>} : memref<256xf32, #tpu.memory_space<vmem>>, vector<16xf32>,
    %broadcast_in_dim3A_25 = arith.constant 1.000000e+00 : f32
    %broadcast_in_dim3A_26 = vector.broadcast %broadcast_in_dim3A_25 : f32 to vector<16xf32>
    %swap3A_27 = arith.constant 64 : index
    %swap3A_28 = tpu.vector_load %arg8[%swap3A_27] {strides = array<i32>} : memref<256xf32, #tpu.memory_space<vmem>>, vector<16xf32>,
    %swap3A_29 = vector.shape_cast %swap3A_28 : vector<16xf32> to vector<16xf32>
    %swap3A_30 = vector.shape_cast %broadcast_in_dim3A_26 : vector<16xf32> to vector<16xf32>
    tpu.vector_store %arg8[%swap3A_27], %swap3A_30 {strides = array<i32>} : memref<256xf32, #tpu.memory_space<vmem>>, vector<16xf32>,
    %broadcast_in_dim3A_31 = arith.constant 1.000000e+00 : f32
    %broadcast_in_dim3A_32 = vector.broadcast %broadcast_in_dim3A_31 : f32 to vector<16xf32>
    %swap3A_33 = arith.constant 80 : index
    %swap3A_34 = tpu.vector_load %arg8[%swap3A_33] {strides = array<i32>} : memref<256xf32, #tpu.memory_space<vmem>>, vector<16xf32>,
    %swap3A_35 = vector.shape_cast %swap3A_34 : vector<16xf32> to vector<16xf32>
    %swap3A_36 = vector.shape_cast %broadcast_in_dim3A_32 : vector<16xf32> to vector<16xf32>
    tpu.vector_store %arg8[%swap3A_33], %swap3A_36 {strides = array<i32>} : memref<256xf32, #tpu.memory_space<vmem>>, vector<16xf32>,
    %broadcast_in_dim3A_37 = arith.constant 1.000000e+00 : f32
    %broadcast_in_dim3A_38 = vector.broadcast %broadcast_in_dim3A_37 : f32 to vector<16xf32>
    %swap3A_39 = arith.constant 96 : index
    %swap3A_40 = tpu.vector_load %arg8[%swap3A_39] {strides = array<i32>} : memref<256xf32, #tpu.memory_space<vmem>>, vector<16xf32>,
    %swap3A_41 = vector.shape_cast %swap3A_40 : vector<16xf32> to vector<16xf32>
    %swap3A_42 = vector.shape_cast %broadcast_in_dim3A_38 : vector<16xf32> to vector<16xf32>
    tpu.vector_store %arg8[%swap3A_39], %swap3A_42 {strides = array<i32>} : memref<256xf32, #tpu.memory_space<vmem>>, vector<16xf32>,
    %broadcast_in_dim3A_43 = arith.constant 1.000000e+00 : f32
    %broadcast_in_dim3A_44 = vector.broadcast %broadcast_in_dim3A_43 : f32 to vector<16xf32>
    %swap3A_45 = arith.constant 112 : index
    %swap3A_46 = tpu.vector_load %arg8[%swap3A_45] {strides = array<i32>} : memref<256xf32, #tpu.memory_space<vmem>>, vector<16xf32>,
    %swap3A_47 = vector.shape_cast %swap3A_46 : vector<16xf32> to vector<16xf32>
    %swap3A_48 = vector.shape_cast %broadcast_in_dim3A_44 : vector<16xf32> to vector<16xf32>
    tpu.vector_store %arg8[%swap3A_45], %swap3A_48 {strides = array<i32>} : memref<256xf32, #tpu.memory_space<vmem>>, vector<16xf32>,
    %broadcast_in_dim3A_49 = arith.constant 1.000000e+00 : f32
    %broadcast_in_dim3A_50 = vector.broadcast %broadcast_in_dim3A_49 : f32 to vector<16xf32>
    %swap3A_51 = arith.constant 128 : index
    %swap3A_52 = tpu.vector_load %arg8[%swap3A_51] {strides = array<i32>} : memref<256xf32, #tpu.memory_space<vmem>>, vector<16xf32>,
    %swap3A_53 = vector.shape_cast %swap3A_52 : vector<16xf32> to vector<16xf32>
    %swap3A_54 = vector.shape_cast %broadcast_in_dim3A_50 : vector<16xf32> to vector<16xf32>
    tpu.vector_store %arg8[%swap3A_51], %swap3A_54 {strides = array<i32>} : memref<256xf32, #tpu.memory_space<vmem>>, vector<16xf32>,
    %broadcast_in_dim3A_55 = arith.constant 1.000000e+00 : f32
    %broadcast_in_dim3A_56 = vector.broadcast %broadcast_in_dim3A_55 : f32 to vector<16xf32>
    %swap3A_57 = arith.constant 144 : index
    %swap3A_58 = tpu.vector_load %arg8[%swap3A_57] {strides = array<i32>} : memref<256xf32, #tpu.memory_space<vmem>>, vector<16xf32>,
    %swap3A_59 = vector.shape_cast %swap3A_58 : vector<16xf32> to vector<16xf32>
    %swap3A_60 = vector.shape_cast %broadcast_in_dim3A_56 : vector<16xf32> to vector<16xf32>
    tpu.vector_store %arg8[%swap3A_57], %swap3A_60 {strides = array<i32>} : memref<256xf32, #tpu.memory_space<vmem>>, vector<16xf32>,
    %broadcast_in_dim3A_61 = arith.constant 1.000000e+00 : f32
    %broadcast_in_dim3A_62 = vector.broadcast %broadcast_in_dim3A_61 : f32 to vector<16xf32>
    %swap3A_63 = arith.constant 160 : index
    %swap3A_64 = tpu.vector_load %arg8[%swap3A_63] {strides = array<i32>} : memref<256xf32, #tpu.memory_space<vmem>>, vector<16xf32>,
    %swap3A_65 = vector.shape_cast %swap3A_64 : vector<16xf32> to vector<16xf32>
    %swap3A_66 = vector.shape_cast %broadcast_in_dim3A_62 : vector<16xf32> to vector<16xf32>
    tpu.vector_store %arg8[%swap3A_63], %swap3A_66 {strides = array<i32>} : memref<256xf32, #tpu.memory_space<vmem>>, vector<16xf32>,
    %broadcast_in_dim3A_67 = arith.constant 1.000000e+00 : f32
    %broadcast_in_dim3A_68 = vector.broadcast %broadcast_in_dim3A_67 : f32 to vector<16xf32>
    %swap3A_69 = arith.constant 176 : index
    %swap3A_70 = tpu.vector_load %arg8[%swap3A_69] {strides = array<i32>} : memref<256xf32, #tpu.memory_space<vmem>>, vector<16xf32>,
    %swap3A_71 = vector.shape_cast %swap3A_70 : vector<16xf32> to vector<16xf32>
    %swap3A_72 = vector.shape_cast %broadcast_in_dim3A_68 : vector<16xf32> to vector<16xf32>
    tpu.vector_store %arg8[%swap3A_69], %swap3A_72 {strides = array<i32>} : memref<256xf32, #tpu.memory_space<vmem>>, vector<16xf32>,
    %broadcast_in_dim3A_73 = arith.constant 1.000000e+00 : f32
    %broadcast_in_dim3A_74 = vector.broadcast %broadcast_in_dim3A_73 : f32 to vector<16xf32>
    %swap3A_75 = arith.constant 192 : index
    %swap3A_76 = tpu.vector_load %arg8[%swap3A_75] {strides = array<i32>} : memref<256xf32, #tpu.memory_space<vmem>>, vector<16xf32>,
    %swap3A_77 = vector.shape_cast %swap3A_76 : vector<16xf32> to vector<16xf32>
    %swap3A_78 = vector.shape_cast %broadcast_in_dim3A_74 : vector<16xf32> to vector<16xf32>
    tpu.vector_store %arg8[%swap3A_75], %swap3A_78 {strides = array<i32>} : memref<256xf32, #tpu.memory_space<vmem>>, vector<16xf32>,
    %broadcast_in_dim3A_79 = arith.constant 1.000000e+00 : f32
    %broadcast_in_dim3A_80 = vector.broadcast %broadcast_in_dim3A_79 : f32 to vector<16xf32>
    %swap3A_81 = arith.constant 208 : index
    %swap3A_82 = tpu.vector_load %arg8[%swap3A_81] {strides = array<i32>} : memref<256xf32, #tpu.memory_space<vmem>>, vector<16xf32>,
    %swap3A_83 = vector.shape_cast %swap3A_82 : vector<16xf32> to vector<16xf32>
    %swap3A_84 = vector.shape_cast %broadcast_in_dim3A_80 : vector<16xf32> to vector<16xf32>
    tpu.vector_store %arg8[%swap3A_81], %swap3A_84 {strides = array<i32>} : memref<256xf32, #tpu.memory_space<vmem>>, vector<16xf32>,
    %broadcast_in_dim3A_85 = arith.constant 1.000000e+00 : f32
    %broadcast_in_dim3A_86 = vector.broadcast %broadcast_in_dim3A_85 : f32 to vector<16xf32>
    %swap3A_87 = arith.constant 224 : index
    %swap3A_88 = tpu.vector_load %arg8[%swap3A_87] {strides = array<i32>} : memref<256xf32, #tpu.memory_space<vmem>>, vector<16xf32>,
    %swap3A_89 = vector.shape_cast %swap3A_88 : vector<16xf32> to vector<16xf32>
    %swap3A_90 = vector.shape_cast %broadcast_in_dim3A_86 : vector<16xf32> to vector<16xf32>
    tpu.vector_store %arg8[%swap3A_87], %swap3A_90 {strides = array<i32>} : memref<256xf32, #tpu.memory_space<vmem>>, vector<16xf32>,
    %broadcast_in_dim3A_91 = arith.constant 1.000000e+00 : f32
    %broadcast_in_dim3A_92 = vector.broadcast %broadcast_in_dim3A_91 : f32 to vector<16xf32>
    %swap3A_93 = arith.constant 240 : index
    %swap3A_94 = tpu.vector_load %arg8[%swap3A_93] {strides = array<i32>} : memref<256xf32, #tpu.memory_space<vmem>>, vector<16xf32>,
    %swap3A_95 = vector.shape_cast %swap3A_94 : vector<16xf32> to vector<16xf32>
    %swap3A_96 = vector.shape_cast %broadcast_in_dim3A_92 : vector<16xf32> to vector<16xf32>
    tpu.vector_store %arg8[%swap3A_93], %swap3A_96 {strides = array<i32>} : memref<256xf32, #tpu.memory_space<vmem>>, vector<16xf32>,
    %broadcast_in_dim3A_97 = arith.constant 0.000000e+00 : f32
    %broadcast_in_dim3A_98 = vector.broadcast %broadcast_in_dim3A_97 : f32 to vector<16xf32>
    %swap3A_99 = arith.constant 0 : index
    %swap3A_100 = tpu.vector_load %arg9[%swap3A_99] {strides = array<i32>} : memref<512xf32, #tpu.memory_space<vmem>>, vector<16xf32>,
    %swap3A_101 = vector.shape_cast %swap3A_100 : vector<16xf32> to vector<16xf32>
    %swap3A_102 = vector.shape_cast %broadcast_in_dim3A_98 : vector<16xf32> to vector<16xf32>
    tpu.vector_store %arg9[%swap3A_99], %swap3A_102 {strides = array<i32>} : memref<512xf32, #tpu.memory_space<vmem>>, vector<16xf32>,
    %broadcast_in_dim3A_103 = arith.constant 0.000000e+00 : f32
    %broadcast_in_dim3A_104 = vector.broadcast %broadcast_in_dim3A_103 : f32 to vector<16xf32>
    %swap3A_105 = arith.constant 16 : index
    %swap3A_106 = tpu.vector_load %arg9[%swap3A_105] {strides = array<i32>} : memref<512xf32, #tpu.memory_space<vmem>>, vector<16xf32>,
    %swap3A_107 = vector.shape_cast %swap3A_106 : vector<16xf32> to vector<16xf32>
    %swap3A_108 = vector.shape_cast %broadcast_in_dim3A_104 : vector<16xf32> to vector<16xf32>
    tpu.vector_store %arg9[%swap3A_105], %swap3A_108 {strides = array<i32>} : memref<512xf32, #tpu.memory_space<vmem>>, vector<16xf32>,
    %broadcast_in_dim3A_109 = arith.constant 0.000000e+00 : f32
    %broadcast_in_dim3A_110 = vector.broadcast %broadcast_in_dim3A_109 : f32 to vector<16xf32>
    %swap3A_111 = arith.constant 32 : index
    %swap3A_112 = tpu.vector_load %arg9[%swap3A_111] {strides = array<i32>} : memref<512xf32, #tpu.memory_space<vmem>>, vector<16xf32>,
    %swap3A_113 = vector.shape_cast %swap3A_112 : vector<16xf32> to vector<16xf32>
    %swap3A_114 = vector.shape_cast %broadcast_in_dim3A_110 : vector<16xf32> to vector<16xf32>
    tpu.vector_store %arg9[%swap3A_111], %swap3A_114 {strides = array<i32>} : memref<512xf32, #tpu.memory_space<vmem>>, vector<16xf32>,
    %broadcast_in_dim3A_115 = arith.constant 0.000000e+00 : f32
    %broadcast_in_dim3A_116 = vector.broadcast %broadcast_in_dim3A_115 : f32 to vector<16xf32>
    %swap3A_117 = arith.constant 48 : index
    %swap3A_118 = tpu.vector_load %arg9[%swap3A_117] {strides = array<i32>} : memref<512xf32, #tpu.memory_space<vmem>>, vector<16xf32>,
    %swap3A_119 = vector.shape_cast %swap3A_118 : vector<16xf32> to vector<16xf32>
    %swap3A_120 = vector.shape_cast %broadcast_in_dim3A_116 : vector<16xf32> to vector<16xf32>
    tpu.vector_store %arg9[%swap3A_117], %swap3A_120 {strides = array<i32>} : memref<512xf32, #tpu.memory_space<vmem>>, vector<16xf32>,
    %broadcast_in_dim3A_121 = arith.constant 0.000000e+00 : f32
    %broadcast_in_dim3A_122 = vector.broadcast %broadcast_in_dim3A_121 : f32 to vector<16xf32>
    %swap3A_123 = arith.constant 64 : index
    %swap3A_124 = tpu.vector_load %arg9[%swap3A_123] {strides = array<i32>} : memref<512xf32, #tpu.memory_space<vmem>>, vector<16xf32>,
    %swap3A_125 = vector.shape_cast %swap3A_124 : vector<16xf32> to vector<16xf32>
    %swap3A_126 = vector.shape_cast %broadcast_in_dim3A_122 : vector<16xf32> to vector<16xf32>
    tpu.vector_store %arg9[%swap3A_123], %swap3A_126 {strides = array<i32>} : memref<512xf32, #tpu.memory_space<vmem>>, vector<16xf32>,
    %broadcast_in_dim3A_127 = arith.constant 0.000000e+00 : f32
    %broadcast_in_dim3A_128 = vector.broadcast %broadcast_in_dim3A_127 : f32 to vector<16xf32>
    %swap3A_129 = arith.constant 80 : index
    %swap3A_130 = tpu.vector_load %arg9[%swap3A_129] {strides = array<i32>} : memref<512xf32, #tpu.memory_space<vmem>>, vector<16xf32>,
    %swap3A_131 = vector.shape_cast %swap3A_130 : vector<16xf32> to vector<16xf32>
    %swap3A_132 = vector.shape_cast %broadcast_in_dim3A_128 : vector<16xf32> to vector<16xf32>
    tpu.vector_store %arg9[%swap3A_129], %swap3A_132 {strides = array<i32>} : memref<512xf32, #tpu.memory_space<vmem>>, vector<16xf32>,
    %broadcast_in_dim3A_133 = arith.constant 0.000000e+00 : f32
    %broadcast_in_dim3A_134 = vector.broadcast %broadcast_in_dim3A_133 : f32 to vector<16xf32>
    %swap3A_135 = arith.constant 96 : index
    %swap3A_136 = tpu.vector_load %arg9[%swap3A_135] {strides = array<i32>} : memref<512xf32, #tpu.memory_space<vmem>>, vector<16xf32>,
    %swap3A_137 = vector.shape_cast %swap3A_136 : vector<16xf32> to vector<16xf32>
    %swap3A_138 = vector.shape_cast %broadcast_in_dim3A_134 : vector<16xf32> to vector<16xf32>
    tpu.vector_store %arg9[%swap3A_135], %swap3A_138 {strides = array<i32>} : memref<512xf32, #tpu.memory_space<vmem>>, vector<16xf32>,
    %broadcast_in_dim3A_139 = arith.constant 0.000000e+00 : f32
    %broadcast_in_dim3A_140 = vector.broadcast %broadcast_in_dim3A_139 : f32 to vector<16xf32>
    %swap3A_141 = arith.constant 112 : index
    %swap3A_142 = tpu.vector_load %arg9[%swap3A_141] {strides = array<i32>} : memref<512xf32, #tpu.memory_space<vmem>>, vector<16xf32>,
    %swap3A_143 = vector.shape_cast %swap3A_142 : vector<16xf32> to vector<16xf32>
    %swap3A_144 = vector.shape_cast %broadcast_in_dim3A_140 : vector<16xf32> to vector<16xf32>
    tpu.vector_store %arg9[%swap3A_141], %swap3A_144 {strides = array<i32>} : memref<512xf32, #tpu.memory_space<vmem>>, vector<16xf32>,
    %broadcast_in_dim3A_145 = arith.constant 0.000000e+00 : f32
    %broadcast_in_dim3A_146 = vector.broadcast %broadcast_in_dim3A_145 : f32 to vector<16xf32>
    %swap3A_147 = arith.constant 128 : index
    %swap3A_148 = tpu.vector_load %arg9[%swap3A_147] {strides = array<i32>} : memref<512xf32, #tpu.memory_space<vmem>>, vector<16xf32>,
    %swap3A_149 = vector.shape_cast %swap3A_148 : vector<16xf32> to vector<16xf32>
    %swap3A_150 = vector.shape_cast %broadcast_in_dim3A_146 : vector<16xf32> to vector<16xf32>
    tpu.vector_store %arg9[%swap3A_147], %swap3A_150 {strides = array<i32>} : memref<512xf32, #tpu.memory_space<vmem>>, vector<16xf32>,
    %broadcast_in_dim3A_151 = arith.constant 0.000000e+00 : f32
    %broadcast_in_dim3A_152 = vector.broadcast %broadcast_in_dim3A_151 : f32 to vector<16xf32>
    %swap3A_153 = arith.constant 144 : index
    %swap3A_154 = tpu.vector_load %arg9[%swap3A_153] {strides = array<i32>} : memref<512xf32, #tpu.memory_space<vmem>>, vector<16xf32>,
    %swap3A_155 = vector.shape_cast %swap3A_154 : vector<16xf32> to vector<16xf32>
    %swap3A_156 = vector.shape_cast %broadcast_in_dim3A_152 : vector<16xf32> to vector<16xf32>
    tpu.vector_store %arg9[%swap3A_153], %swap3A_156 {strides = array<i32>} : memref<512xf32, #tpu.memory_space<vmem>>, vector<16xf32>,
    %broadcast_in_dim3A_157 = arith.constant 0.000000e+00 : f32
    %broadcast_in_dim3A_158 = vector.broadcast %broadcast_in_dim3A_157 : f32 to vector<16xf32>
    %swap3A_159 = arith.constant 160 : index
    %swap3A_160 = tpu.vector_load %arg9[%swap3A_159] {strides = array<i32>} : memref<512xf32, #tpu.memory_space<vmem>>, vector<16xf32>,
    %swap3A_161 = vector.shape_cast %swap3A_160 : vector<16xf32> to vector<16xf32>
    %swap3A_162 = vector.shape_cast %broadcast_in_dim3A_158 : vector<16xf32> to vector<16xf32>
    tpu.vector_store %arg9[%swap3A_159], %swap3A_162 {strides = array<i32>} : memref<512xf32, #tpu.memory_space<vmem>>, vector<16xf32>,
    %broadcast_in_dim3A_163 = arith.constant 0.000000e+00 : f32
    %broadcast_in_dim3A_164 = vector.broadcast %broadcast_in_dim3A_163 : f32 to vector<16xf32>
    %swap3A_165 = arith.constant 176 : index
    %swap3A_166 = tpu.vector_load %arg9[%swap3A_165] {strides = array<i32>} : memref<512xf32, #tpu.memory_space<vmem>>, vector<16xf32>,
    %swap3A_167 = vector.shape_cast %swap3A_166 : vector<16xf32> to vector<16xf32>
    %swap3A_168 = vector.shape_cast %broadcast_in_dim3A_164 : vector<16xf32> to vector<16xf32>
    tpu.vector_store %arg9[%swap3A_165], %swap3A_168 {strides = array<i32>} : memref<512xf32, #tpu.memory_space<vmem>>, vector<16xf32>,
    %broadcast_in_dim3A_169 = arith.constant 0.000000e+00 : f32
    %broadcast_in_dim3A_170 = vector.broadcast %broadcast_in_dim3A_169 : f32 to vector<16xf32>
    %swap3A_171 = arith.constant 192 : index
    %swap3A_172 = tpu.vector_load %arg9[%swap3A_171] {strides = array<i32>} : memref<512xf32, #tpu.memory_space<vmem>>, vector<16xf32>,
    %swap3A_173 = vector.shape_cast %swap3A_172 : vector<16xf32> to vector<16xf32>
    %swap3A_174 = vector.shape_cast %broadcast_in_dim3A_170 : vector<16xf32> to vector<16xf32>
    tpu.vector_store %arg9[%swap3A_171], %swap3A_174 {strides = array<i32>} : memref<512xf32, #tpu.memory_space<vmem>>, vector<16xf32>,
    %broadcast_in_dim3A_175 = arith.constant 0.000000e+00 : f32
    %broadcast_in_dim3A_176 = vector.broadcast %broadcast_in_dim3A_175 : f32 to vector<16xf32>
    %swap3A_177 = arith.constant 208 : index
    %swap3A_178 = tpu.vector_load %arg9[%swap3A_177] {strides = array<i32>} : memref<512xf32, #tpu.memory_space<vmem>>, vector<16xf32>,
    %swap3A_179 = vector.shape_cast %swap3A_178 : vector<16xf32> to vector<16xf32>
    %swap3A_180 = vector.shape_cast %broadcast_in_dim3A_176 : vector<16xf32> to vector<16xf32>
    tpu.vector_store %arg9[%swap3A_177], %swap3A_180 {strides = array<i32>} : memref<512xf32, #tpu.memory_space<vmem>>, vector<16xf32>,
    %broadcast_in_dim3A_181 = arith.constant 0.000000e+00 : f32
    %broadcast_in_dim3A_182 = vector.broadcast %broadcast_in_dim3A_181 : f32 to vector<16xf32>
    %swap3A_183 = arith.constant 224 : index
    %swap3A_184 = tpu.vector_load %arg9[%swap3A_183] {strides = array<i32>} : memref<512xf32, #tpu.memory_space<vmem>>, vector<16xf32>,
    %swap3A_185 = vector.shape_cast %swap3A_184 : vector<16xf32> to vector<16xf32>
    %swap3A_186 = vector.shape_cast %broadcast_in_dim3A_182 : vector<16xf32> to vector<16xf32>
    tpu.vector_store %arg9[%swap3A_183], %swap3A_186 {strides = array<i32>} : memref<512xf32, #tpu.memory_space<vmem>>, vector<16xf32>,
    %broadcast_in_dim3A_187 = arith.constant 0.000000e+00 : f32
    %broadcast_in_dim3A_188 = vector.broadcast %broadcast_in_dim3A_187 : f32 to vector<16xf32>
    %swap3A_189 = arith.constant 240 : index
    %swap3A_190 = tpu.vector_load %arg9[%swap3A_189] {strides = array<i32>} : memref<512xf32, #tpu.memory_space<vmem>>, vector<16xf32>,
    %swap3A_191 = vector.shape_cast %swap3A_190 : vector<16xf32> to vector<16xf32>
    %swap3A_192 = vector.shape_cast %broadcast_in_dim3A_188 : vector<16xf32> to vector<16xf32>
    tpu.vector_store %arg9[%swap3A_189], %swap3A_192 {strides = array<i32>} : memref<512xf32, #tpu.memory_space<vmem>>, vector<16xf32>,
    %broadcast_in_dim3A_193 = arith.constant 0.000000e+00 : f32
    %broadcast_in_dim3A_194 = vector.broadcast %broadcast_in_dim3A_193 : f32 to vector<16xf32>
    %swap3A_195 = arith.constant 256 : index
    %swap3A_196 = tpu.vector_load %arg9[%swap3A_195] {strides = array<i32>} : memref<512xf32, #tpu.memory_space<vmem>>, vector<16xf32>,
    %swap3A_197 = vector.shape_cast %swap3A_196 : vector<16xf32> to vector<16xf32>
    %swap3A_198 = vector.shape_cast %broadcast_in_dim3A_194 : vector<16xf32> to vector<16xf32>
    tpu.vector_store %arg9[%swap3A_195], %swap3A_198 {strides = array<i32>} : memref<512xf32, #tpu.memory_space<vmem>>, vector<16xf32>,
    %broadcast_in_dim3A_199 = arith.constant 0.000000e+00 : f32
    %broadcast_in_dim3A_200 = vector.broadcast %broadcast_in_dim3A_199 : f32 to vector<16xf32>
    %swap3A_201 = arith.constant 272 : index
    %swap3A_202 = tpu.vector_load %arg9[%swap3A_201] {strides = array<i32>} : memref<512xf32, #tpu.memory_space<vmem>>, vector<16xf32>,
    %swap3A_203 = vector.shape_cast %swap3A_202 : vector<16xf32> to vector<16xf32>
    %swap3A_204 = vector.shape_cast %broadcast_in_dim3A_200 : vector<16xf32> to vector<16xf32>
    tpu.vector_store %arg9[%swap3A_201], %swap3A_204 {strides = array<i32>} : memref<512xf32, #tpu.memory_space<vmem>>, vector<16xf32>,
    %broadcast_in_dim3A_205 = arith.constant 0.000000e+00 : f32
    %broadcast_in_dim3A_206 = vector.broadcast %broadcast_in_dim3A_205 : f32 to vector<16xf32>
    %swap3A_207 = arith.constant 288 : index
    %swap3A_208 = tpu.vector_load %arg9[%swap3A_207] {strides = array<i32>} : memref<512xf32, #tpu.memory_space<vmem>>, vector<16xf32>,
    %swap3A_209 = vector.shape_cast %swap3A_208 : vector<16xf32> to vector<16xf32>
    %swap3A_210 = vector.shape_cast %broadcast_in_dim3A_206 : vector<16xf32> to vector<16xf32>
    tpu.vector_store %arg9[%swap3A_207], %swap3A_210 {strides = array<i32>} : memref<512xf32, #tpu.memory_space<vmem>>, vector<16xf32>,
    %broadcast_in_dim3A_211 = arith.constant 0.000000e+00 : f32
    %broadcast_in_dim3A_212 = vector.broadcast %broadcast_in_dim3A_211 : f32 to vector<16xf32>
    %swap3A_213 = arith.constant 304 : index
    %swap3A_214 = tpu.vector_load %arg9[%swap3A_213] {strides = array<i32>} : memref<512xf32, #tpu.memory_space<vmem>>, vector<16xf32>,
    %swap3A_215 = vector.shape_cast %swap3A_214 : vector<16xf32> to vector<16xf32>
    %swap3A_216 = vector.shape_cast %broadcast_in_dim3A_212 : vector<16xf32> to vector<16xf32>
    tpu.vector_store %arg9[%swap3A_213], %swap3A_216 {strides = array<i32>} : memref<512xf32, #tpu.memory_space<vmem>>, vector<16xf32>,
    %broadcast_in_dim3A_217 = arith.constant 0.000000e+00 : f32
    %broadcast_in_dim3A_218 = vector.broadcast %broadcast_in_dim3A_217 : f32 to vector<16xf32>
    %swap3A_219 = arith.constant 320 : index
    %swap3A_220 = tpu.vector_load %arg9[%swap3A_219] {strides = array<i32>} : memref<512xf32, #tpu.memory_space<vmem>>, vector<16xf32>,
    %swap3A_221 = vector.shape_cast %swap3A_220 : vector<16xf32> to vector<16xf32>
    %swap3A_222 = vector.shape_cast %broadcast_in_dim3A_218 : vector<16xf32> to vector<16xf32>
    tpu.vector_store %arg9[%swap3A_219], %swap3A_222 {strides = array<i32>} : memref<512xf32, #tpu.memory_space<vmem>>, vector<16xf32>,
    %broadcast_in_dim3A_223 = arith.constant 0.000000e+00 : f32
    %broadcast_in_dim3A_224 = vector.broadcast %broadcast_in_dim3A_223 : f32 to vector<16xf32>
    %swap3A_225 = arith.constant 336 : index
    %swap3A_226 = tpu.vector_load %arg9[%swap3A_225] {strides = array<i32>} : memref<512xf32, #tpu.memory_space<vmem>>, vector<16xf32>,
    %swap3A_227 = vector.shape_cast %swap3A_226 : vector<16xf32> to vector<16xf32>
    %swap3A_228 = vector.shape_cast %broadcast_in_dim3A_224 : vector<16xf32> to vector<16xf32>
    tpu.vector_store %arg9[%swap3A_225], %swap3A_228 {strides = array<i32>} : memref<512xf32, #tpu.memory_space<vmem>>, vector<16xf32>,
    %broadcast_in_dim3A_229 = arith.constant 0.000000e+00 : f32
    %broadcast_in_dim3A_230 = vector.broadcast %broadcast_in_dim3A_229 : f32 to vector<16xf32>
    %swap3A_231 = arith.constant 352 : index
    %swap3A_232 = tpu.vector_load %arg9[%swap3A_231] {strides = array<i32>} : memref<512xf32, #tpu.memory_space<vmem>>, vector<16xf32>,
    %swap3A_233 = vector.shape_cast %swap3A_232 : vector<16xf32> to vector<16xf32>
    %swap3A_234 = vector.shape_cast %broadcast_in_dim3A_230 : vector<16xf32> to vector<16xf32>
    tpu.vector_store %arg9[%swap3A_231], %swap3A_234 {strides = array<i32>} : memref<512xf32, #tpu.memory_space<vmem>>, vector<16xf32>,
    %broadcast_in_dim3A_235 = arith.constant 0.000000e+00 : f32
    %broadcast_in_dim3A_236 = vector.broadcast %broadcast_in_dim3A_235 : f32 to vector<16xf32>
    %swap3A_237 = arith.constant 368 : index
    %swap3A_238 = tpu.vector_load %arg9[%swap3A_237] {strides = array<i32>} : memref<512xf32, #tpu.memory_space<vmem>>, vector<16xf32>,
    %swap3A_239 = vector.shape_cast %swap3A_238 : vector<16xf32> to vector<16xf32>
    %swap3A_240 = vector.shape_cast %broadcast_in_dim3A_236 : vector<16xf32> to vector<16xf32>
    tpu.vector_store %arg9[%swap3A_237], %swap3A_240 {strides = array<i32>} : memref<512xf32, #tpu.memory_space<vmem>>, vector<16xf32>,
    %broadcast_in_dim3A_241 = arith.constant 0.000000e+00 : f32
    %broadcast_in_dim3A_242 = vector.broadcast %broadcast_in_dim3A_241 : f32 to vector<16xf32>
    %swap3A_243 = arith.constant 384 : index
    %swap3A_244 = tpu.vector_load %arg9[%swap3A_243] {strides = array<i32>} : memref<512xf32, #tpu.memory_space<vmem>>, vector<16xf32>,
    %swap3A_245 = vector.shape_cast %swap3A_244 : vector<16xf32> to vector<16xf32>
    %swap3A_246 = vector.shape_cast %broadcast_in_dim3A_242 : vector<16xf32> to vector<16xf32>
    tpu.vector_store %arg9[%swap3A_243], %swap3A_246 {strides = array<i32>} : memref<512xf32, #tpu.memory_space<vmem>>, vector<16xf32>,
    %broadcast_in_dim3A_247 = arith.constant 0.000000e+00 : f32
    %broadcast_in_dim3A_248 = vector.broadcast %broadcast_in_dim3A_247 : f32 to vector<16xf32>
    %swap3A_249 = arith.constant 400 : index
    %swap3A_250 = tpu.vector_load %arg9[%swap3A_249] {strides = array<i32>} : memref<512xf32, #tpu.memory_space<vmem>>, vector<16xf32>,
    %swap3A_251 = vector.shape_cast %swap3A_250 : vector<16xf32> to vector<16xf32>
    %swap3A_252 = vector.shape_cast %broadcast_in_dim3A_248 : vector<16xf32> to vector<16xf32>
    tpu.vector_store %arg9[%swap3A_249], %swap3A_252 {strides = array<i32>} : memref<512xf32, #tpu.memory_space<vmem>>, vector<16xf32>,
    %broadcast_in_dim3A_253 = arith.constant 0.000000e+00 : f32
    %broadcast_in_dim3A_254 = vector.broadcast %broadcast_in_dim3A_253 : f32 to vector<16xf32>
    %swap3A_255 = arith.constant 416 : index
    %swap3A_256 = tpu.vector_load %arg9[%swap3A_255] {strides = array<i32>} : memref<512xf32, #tpu.memory_space<vmem>>, vector<16xf32>,
    %swap3A_257 = vector.shape_cast %swap3A_256 : vector<16xf32> to vector<16xf32>
    %swap3A_258 = vector.shape_cast %broadcast_in_dim3A_254 : vector<16xf32> to vector<16xf32>
    tpu.vector_store %arg9[%swap3A_255], %swap3A_258 {strides = array<i32>} : memref<512xf32, #tpu.memory_space<vmem>>, vector<16xf32>,
    %broadcast_in_dim3A_259 = arith.constant 0.000000e+00 : f32
    %broadcast_in_dim3A_260 = vector.broadcast %broadcast_in_dim3A_259 : f32 to vector<16xf32>
    %swap3A_261 = arith.constant 432 : index
    %swap3A_262 = tpu.vector_load %arg9[%swap3A_261] {strides = array<i32>} : memref<512xf32, #tpu.memory_space<vmem>>, vector<16xf32>,
    %swap3A_263 = vector.shape_cast %swap3A_262 : vector<16xf32> to vector<16xf32>
    %swap3A_264 = vector.shape_cast %broadcast_in_dim3A_260 : vector<16xf32> to vector<16xf32>
    tpu.vector_store %arg9[%swap3A_261], %swap3A_264 {strides = array<i32>} : memref<512xf32, #tpu.memory_space<vmem>>, vector<16xf32>,
    %broadcast_in_dim3A_265 = arith.constant 0.000000e+00 : f32
    %broadcast_in_dim3A_266 = vector.broadcast %broadcast_in_dim3A_265 : f32 to vector<16xf32>
    %swap3A_267 = arith.constant 448 : index
    %swap3A_268 = tpu.vector_load %arg9[%swap3A_267] {strides = array<i32>} : memref<512xf32, #tpu.memory_space<vmem>>, vector<16xf32>,
    %swap3A_269 = vector.shape_cast %swap3A_268 : vector<16xf32> to vector<16xf32>
    %swap3A_270 = vector.shape_cast %broadcast_in_dim3A_266 : vector<16xf32> to vector<16xf32>
    tpu.vector_store %arg9[%swap3A_267], %swap3A_270 {strides = array<i32>} : memref<512xf32, #tpu.memory_space<vmem>>, vector<16xf32>,
    %broadcast_in_dim3A_271 = arith.constant 0.000000e+00 : f32
    %broadcast_in_dim3A_272 = vector.broadcast %broadcast_in_dim3A_271 : f32 to vector<16xf32>
    %swap3A_273 = arith.constant 464 : index
    %swap3A_274 = tpu.vector_load %arg9[%swap3A_273] {strides = array<i32>} : memref<512xf32, #tpu.memory_space<vmem>>, vector<16xf32>,
    %swap3A_275 = vector.shape_cast %swap3A_274 : vector<16xf32> to vector<16xf32>
    %swap3A_276 = vector.shape_cast %broadcast_in_dim3A_272 : vector<16xf32> to vector<16xf32>
    tpu.vector_store %arg9[%swap3A_273], %swap3A_276 {strides = array<i32>} : memref<512xf32, #tpu.memory_space<vmem>>, vector<16xf32>,
    %broadcast_in_dim3A_277 = arith.constant 0.000000e+00 : f32
    %broadcast_in_dim3A_278 = vector.broadcast %broadcast_in_dim3A_277 : f32 to vector<16xf32>
    %swap3A_279 = arith.constant 480 : index
    %swap3A_280 = tpu.vector_load %arg9[%swap3A_279] {strides = array<i32>} : memref<512xf32, #tpu.memory_space<vmem>>, vector<16xf32>,
    %swap3A_281 = vector.shape_cast %swap3A_280 : vector<16xf32> to vector<16xf32>
    %swap3A_282 = vector.shape_cast %broadcast_in_dim3A_278 : vector<16xf32> to vector<16xf32>
    tpu.vector_store %arg9[%swap3A_279], %swap3A_282 {strides = array<i32>} : memref<512xf32, #tpu.memory_space<vmem>>, vector<16xf32>,
    %broadcast_in_dim3A_283 = arith.constant 0.000000e+00 : f32
    %broadcast_in_dim3A_284 = vector.broadcast %broadcast_in_dim3A_283 : f32 to vector<16xf32>
    %swap3A_285 = arith.constant 496 : index
    %swap3A_286 = tpu.vector_load %arg9[%swap3A_285] {strides = array<i32>} : memref<512xf32, #tpu.memory_space<vmem>>, vector<16xf32>,
    %swap3A_287 = vector.shape_cast %swap3A_286 : vector<16xf32> to vector<16xf32>
    %swap3A_288 = vector.shape_cast %broadcast_in_dim3A_284 : vector<16xf32> to vector<16xf32>
    tpu.vector_store %arg9[%swap3A_285], %swap3A_288 {strides = array<i32>} : memref<512xf32, #tpu.memory_space<vmem>>, vector<16xf32>,
    %mul3A_289 = arith.constant 512 : i32
    %mul3A_290 = arith.muli %arg1, %mul3A_289 : i32
    "tpu.region"() ({
      %run_scoped3A = tpu.sem_alloc : memref<!tpu.dma_semaphore, #tpu.memory_space<semaphore_mem>>
      %dma_start3A_298 = tpu.memref_slice %arg10[%mul3A_290] : memref<8192xf32, #tpu.memory_space<vmem_shared>> -> memref<512xf32, #tpu.memory_space<vmem_shared>>
      %dma_start3A_299 = tpu.memref_slice %arg10[%mul3A_290] : memref<8192xf32, #tpu.memory_space<vmem_shared>> -> memref<512xf32, #tpu.memory_space<vmem_shared>>
      tpu.enqueue_dma source(%arg9 : memref<512xf32, #tpu.memory_space<vmem>>) target(%dma_start3A_299 : memref<512xf32, #tpu.memory_space<vmem_shared>>) target_semaphore(%run_scoped3A : memref<!tpu.dma_semaphore, #tpu.memory_space<semaphore_mem>>)
      %dma_wait3A_300 = tpu.memref_slice %arg10[%mul3A_290] : memref<8192xf32, #tpu.memory_space<vmem_shared>> -> memref<512xf32, #tpu.memory_space<vmem_shared>>
      %dma_wait3A_301 = tpu.memref_slice %arg10[%mul3A_290] : memref<8192xf32, #tpu.memory_space<vmem_shared>> -> memref<512xf32, #tpu.memory_space<vmem_shared>>
      tpu.wait_dma2 semaphore(%run_scoped3A : memref<!tpu.dma_semaphore, #tpu.memory_space<semaphore_mem>>) src(%arg9 : memref<512xf32, #tpu.memory_space<vmem>>) dst(%dma_wait3A_301 : memref<512xf32, #tpu.memory_space<vmem_shared>>)
      tpu.yield
    }) : () -> ()
    "tpu.region"() ({
      %run_scoped3A = tpu.sem_alloc : memref<!tpu.dma_semaphore, #tpu.memory_space<semaphore_mem>>
      %dma_start3A_298 = tpu.memref_slice %arg3[%mul3A_2] : memref<8192xi32, #tpu.memory_space<hbm>> -> memref<256xi32, #tpu.memory_space<hbm>>
      %dma_start3A_299 = tpu.memref_slice %arg3[%mul3A_2] : memref<8192xi32, #tpu.memory_space<hbm>> -> memref<256xi32, #tpu.memory_space<hbm>>
      tpu.enqueue_dma source(%dma_start3A_299 : memref<256xi32, #tpu.memory_space<hbm>>) target(%arg6 : memref<256xi32, #tpu.memory_space<vmem>>) target_semaphore(%run_scoped3A : memref<!tpu.dma_semaphore, #tpu.memory_space<semaphore_mem>>)
      %dma_wait3A_300 = tpu.memref_slice %arg3[%mul3A_2] : memref<8192xi32, #tpu.memory_space<hbm>> -> memref<256xi32, #tpu.memory_space<hbm>>
      %dma_wait3A_301 = tpu.memref_slice %arg3[%mul3A_2] : memref<8192xi32, #tpu.memory_space<hbm>> -> memref<256xi32, #tpu.memory_space<hbm>>
      tpu.wait_dma2 semaphore(%run_scoped3A : memref<!tpu.dma_semaphore, #tpu.memory_space<semaphore_mem>>) src(%dma_wait3A_301 : memref<256xi32, #tpu.memory_space<hbm>>) dst(%arg6 : memref<256xi32, #tpu.memory_space<vmem>>)
      tpu.yield
    }) : () -> ()
    %dma_start3A = arith.constant 0 : i32
    %dma_start3A_291 = arith.constant 0 : i32
    %dma_start3A_292 = tpu.memref_slice %arg2[%dma_start3A, %dma_start3A_291] : memref<8192x128xf32, #tpu.memory_space<hbm>> -> memref<8192x128xf32, #tpu.memory_space<hbm>>
    tpu.enqueue_indirect_dma source(%dma_start3A_292 : memref<8192x128xf32, #tpu.memory_space<hbm>>) target(%arg7 : memref<256x128xf32, #tpu.memory_space<vmem>>) offsets(%arg6 : memref<256xi32, #tpu.memory_space<vmem>>) semaphore(%arg11 : memref<!tpu.dma_semaphore, #tpu.memory_space<semaphore_mem>>)
    %dma_wait3A = arith.constant 0 : i32
    %dma_wait3A_293 = arith.constant 0 : i32
    %dma_wait3A_294 = tpu.memref_slice %arg2[%dma_wait3A, %dma_wait3A_293] : memref<8192x128xf32, #tpu.memory_space<hbm>> -> memref<8192x128xf32, #tpu.memory_space<hbm>>
    tpu.wait_indirect_dma semaphore(%arg11 : memref<!tpu.dma_semaphore, #tpu.memory_space<semaphore_mem>>) src(%dma_wait3A_294 : memref<8192x128xf32, #tpu.memory_space<hbm>>) dst(%arg7 : memref<256x128xf32, #tpu.memory_space<vmem>>)
    "tpu.region"() ({
      %run_scoped3A = tpu.sem_alloc : memref<!tpu.dma_semaphore, #tpu.memory_space<semaphore_mem>>
      %dma_start3A_298 = arith.constant 0 : i32
      %dma_start3A_299 = tpu.memref_slice %arg4[%mul3A_2, %dma_start3A_298] : memref<8192x128xf32, #tpu.memory_space<hbm>> -> memref<256x128xf32, #tpu.memory_space<hbm>>
      %dma_start3A_300 = arith.constant 0 : i32
      %dma_start3A_301 = tpu.memref_slice %arg4[%mul3A_2, %dma_start3A_300] : memref<8192x128xf32, #tpu.memory_space<hbm>> -> memref<256x128xf32, #tpu.memory_space<hbm>>
      tpu.enqueue_dma source(%arg7 : memref<256x128xf32, #tpu.memory_space<vmem>>) target(%dma_start3A_301 : memref<256x128xf32, #tpu.memory_space<hbm>>) target_semaphore(%run_scoped3A : memref<!tpu.dma_semaphore, #tpu.memory_space<semaphore_mem>>)
      %dma_wait3A_302 = arith.constant 0 : i32
      %dma_wait3A_303 = tpu.memref_slice %arg4[%mul3A_2, %dma_wait3A_302] : memref<8192x128xf32, #tpu.memory_space<hbm>> -> memref<256x128xf32, #tpu.memory_space<hbm>>
      %dma_wait3A_304 = arith.constant 0 : i32
      %dma_wait3A_305 = tpu.memref_slice %arg4[%mul3A_2, %dma_wait3A_304] : memref<8192x128xf32, #tpu.memory_space<hbm>> -> memref<256x128xf32, #tpu.memory_space<hbm>>
      tpu.wait_dma2 semaphore(%run_scoped3A : memref<!tpu.dma_semaphore, #tpu.memory_space<semaphore_mem>>) src(%arg7 : memref<256x128xf32, #tpu.memory_space<vmem>>) dst(%dma_wait3A_305 : memref<256x128xf32, #tpu.memory_space<hbm>>)
      tpu.yield
    }) : () -> ()
    %barrier3A = arith.constant 0 : index
    tpu.barrier barrier_id(%barrier3A)
    "tpu.region"() ({
      %run_scoped3A = tpu.sem_alloc : memref<!tpu.dma_semaphore, #tpu.memory_space<semaphore_mem>>
      %dma_start3A_298 = arith.constant 0 : i32
      %dma_start3A_299 = tpu.memref_slice %arg10[%dma_start3A_298] : memref<8192xf32, #tpu.memory_space<vmem_shared>> -> memref<8192xf32, #tpu.memory_space<vmem_shared>>
      tpu.enqueue_indirect_dma source(%arg8 : memref<256xf32, #tpu.memory_space<vmem>>) target(%dma_start3A_299 : memref<8192xf32, #tpu.memory_space<vmem_shared>>) offsets(%arg6 : memref<256xi32, #tpu.memory_space<vmem>>) semaphore(%run_scoped3A : memref<!tpu.dma_semaphore, #tpu.memory_space<semaphore_mem>>) {add = true}
      %dma_wait3A_300 = arith.constant 0 : i32
      %dma_wait3A_301 = tpu.memref_slice %arg10[%dma_wait3A_300] : memref<8192xf32, #tpu.memory_space<vmem_shared>> -> memref<8192xf32, #tpu.memory_space<vmem_shared>>
      tpu.wait_indirect_dma semaphore(%run_scoped3A : memref<!tpu.dma_semaphore, #tpu.memory_space<semaphore_mem>>) src(%arg8 : memref<256xf32, #tpu.memory_space<vmem>>) dst(%dma_wait3A_301 : memref<8192xf32, #tpu.memory_space<vmem_shared>>)
      tpu.yield
    }) : () -> ()
    %barrier3A_295 = arith.constant 0 : index
    tpu.barrier barrier_id(%barrier3A_295)
    %eq3A = arith.constant 0 : i32
    %eq3A_296 = arith.cmpi eq, %arg1, %eq3A : i32
    %convert_element_type3A = arith.extui %eq3A_296 : i1 to i32
    %cond3A = arith.constant 0 : i32
    %cond3A_297 = arith.cmpi ne, %convert_element_type3A, %cond3A : i32
    scf.if %cond3A_297 {
      %mul3A_298 = arith.constant 8192 : i32
      %mul3A_299 = arith.muli %arg0, %mul3A_298 : i32
      "tpu.region"() ({
        %run_scoped3A = tpu.sem_alloc : memref<!tpu.dma_semaphore, #tpu.memory_space<semaphore_mem>>
        %dma_start3A_300 = tpu.memref_slice %arg5[%mul3A_299] : memref<16384xf32, #tpu.memory_space<hbm>> -> memref<8192xf32, #tpu.memory_space<hbm>>
        tpu.enqueue_dma source(%arg10 : memref<8192xf32, #tpu.memory_space<vmem_shared>>) target(%dma_start3A_300 : memref<8192xf32, #tpu.memory_space<hbm>>) target_semaphore(%run_scoped3A : memref<!tpu.dma_semaphore, #tpu.memory_space<semaphore_mem>>)
        %dma_wait3A_301 = tpu.memref_slice %arg5[%mul3A_299] : memref<16384xf32, #tpu.memory_space<hbm>> -> memref<8192xf32, #tpu.memory_space<hbm>>
        tpu.wait_dma2 semaphore(%run_scoped3A : memref<!tpu.dma_semaphore, #tpu.memory_space<semaphore_mem>>) src(%arg10 : memref<8192xf32, #tpu.memory_space<vmem_shared>>) dst(%dma_wait3A_301 : memref<8192xf32, #tpu.memory_space<hbm>>)
        tpu.yield
      }) : () -> ()
    } else {
    }
    return
  }
}

module attributes {stable_mosaic.version = 14 : i64} {
  func.func @_argmin_body(%arg0: i32, %arg1: memref<256x32xf32, #tpu.memory_space<vmem>>, %arg2: memref<256x1xf32, #tpu.memory_space<vmem>>, %arg3: memref<1x8192xf32, #tpu.memory_space<vmem>>, %arg4: memref<32x8192xf32, #tpu.memory_space<vmem>>, %arg5: memref<256xi32, #tpu.memory_space<vmem>>, %arg6: memref<256x128xf32, #tpu.memory_space<vmem>>) attributes {dimension_semantics = [#tpu.dimension_semantics<arbitrary>], iteration_bounds = array<i64: 32>, scalar_prefetch = 0 : i64, scratch_operands = 0 : i64, tpu.core_type = #tpu.core_type<tc>, window_params = [{transform_indices = @transform_0, window_bounds = array<i64: 256, 32>}, {transform_indices = @transform_1, window_bounds = array<i64: 256, 1>}, {pipeline_mode = #tpu.pipeline_mode<synchronous>, transform_indices = @transform_2, window_bounds = array<i64: 1, 8192>}, {pipeline_mode = #tpu.pipeline_mode<synchronous>, transform_indices = @transform_3, window_bounds = array<i64: 32, 8192>}, {transform_indices = @transform_4, window_bounds = array<i64: 256>}, {transform_indices = @transform_5, window_bounds = array<i64: 256, 128>}]} {
    %get3A = arith.constant 0 : index
    %get3A_0 = arith.constant 0 : index
    %get3A_1 = vector.load %arg1[%get3A, %get3A_0] : memref<256x32xf32, #tpu.memory_space<vmem>>, vector<256x32xf32>
    %get3A_2 = arith.constant 0 : index
    %get3A_3 = arith.constant 0 : index
    %get3A_4 = vector.load %arg4[%get3A_2, %get3A_3] : memref<32x8192xf32, #tpu.memory_space<vmem>>, vector<32x8192xf32>
    %mul3A = arith.constant -2.000000e+00 : f32
    %mul3A_5 = vector.broadcast %mul3A : f32 to vector<256x32xf32>
    %mul3A_6 = arith.mulf %mul3A_5, %get3A_1 : vector<256x32xf32>
    %dot_general3A = arith.constant dense<0.000000e+00> : vector<256x8192xf32>
    %dot_general3A_7 = tpu.matmul %mul3A_6, %get3A_4, %dot_general3A {dimension_numbers = #tpu.dot_dimension_numbers<[1], [0], [0], [1], [0, 0, 1, 1], [], []>, transpose_lhs_hint = false} : vector<256x32xf32>, vector<32x8192xf32>, vector<256x8192xf32> -> vector<256x8192xf32>
    %get3A_8 = arith.constant 0 : index
    %get3A_9 = arith.constant 0 : index
    %get3A_10 = vector.load %arg2[%get3A_8, %get3A_9] : memref<256x1xf32, #tpu.memory_space<vmem>>, vector<256x1xf32>
    %add3A = vector.broadcast %get3A_10 : vector<256x1xf32> to vector<256x8192xf32>
    %add3A_11 = arith.addf %add3A, %dot_general3A_7 : vector<256x8192xf32>
    %get3A_12 = arith.constant 0 : index
    %get3A_13 = arith.constant 0 : index
    %get3A_14 = vector.load %arg3[%get3A_12, %get3A_13] : memref<1x8192xf32, #tpu.memory_space<vmem>>, vector<1x8192xf32>
    %add3A_15 = vector.broadcast %get3A_14 : vector<1x8192xf32> to vector<256x8192xf32>
    %add3A_16 = arith.addf %add3A_11, %add3A_15 : vector<256x8192xf32>
    %broadcast_in_dim3A = arith.constant 0xFF800000 : f32
    %broadcast_in_dim3A_17 = vector.broadcast %broadcast_in_dim3A : f32 to vector<256x1xf32>
    %broadcast_in_dim3A_18 = arith.constant 0 : i32
    %broadcast_in_dim3A_19 = vector.broadcast %broadcast_in_dim3A_18 : i32 to vector<256x1xi32>
    %slice3A = vector.extract_strided_slice %add3A_16 {offsets = [0, 0], sizes = [256, 2048], strides = [1, 1]} : vector<256x8192xf32> to vector<256x2048xf32>
    %reduce_min3A = arith.constant dense<0x7F800000> : vector<256xf32>
    %reduce_min3A_20 = vector.multi_reduction <minimumf>, %slice3A, %reduce_min3A [1] : vector<256x2048xf32> to vector<256xf32>
    %broadcast_in_dim3A_21 = vector.shape_cast %reduce_min3A_20 : vector<256xf32> to vector<256x1xf32>
    %argmin3A = tpu.reduce_index %slice3A {axis = 1 : i32, kind = #tpu.reduction_kind<arg_min>} : vector<256x2048xf32> -> vector<256xi32>
    %add3A_22 = arith.constant 0 : i32
    %add3A_23 = vector.broadcast %add3A_22 : i32 to vector<256xi32>
    %add3A_24 = arith.addi %argmin3A, %add3A_23 : vector<256xi32>
    %broadcast_in_dim3A_25 = vector.shape_cast %add3A_24 : vector<256xi32> to vector<256x1xi32>
    %neg3A = arith.constant 0.000000e+00 : f32
    %neg3A_26 = vector.broadcast %neg3A : f32 to vector<256x1xf32>
    %neg3A_27 = arith.subf %neg3A_26, %broadcast_in_dim3A_21 : vector<256x1xf32>
    %gt3A = arith.cmpf ogt, %neg3A_27, %broadcast_in_dim3A_17 : vector<256x1xf32>
    %convert_element_type3A = arith.truncf %neg3A_27 : vector<256x1xf32> to vector<256x1xbf16>
    %convert_element_type3A_28 = arith.extf %convert_element_type3A : vector<256x1xbf16> to vector<256x1xf32>
    %select_n3A = arith.select %gt3A, %convert_element_type3A_28, %broadcast_in_dim3A_17 : vector<256x1xi1>, vector<256x1xf32>
    %select_n3A_29 = arith.select %gt3A, %broadcast_in_dim3A_25, %broadcast_in_dim3A_19 : vector<256x1xi1>, vector<256x1xi32>
    %slice3A_30 = vector.extract_strided_slice %add3A_16 {offsets = [0, 2048], sizes = [256, 2048], strides = [1, 1]} : vector<256x8192xf32> to vector<256x2048xf32>
    %reduce_min3A_31 = arith.constant dense<0x7F800000> : vector<256xf32>
    %reduce_min3A_32 = vector.multi_reduction <minimumf>, %slice3A_30, %reduce_min3A_31 [1] : vector<256x2048xf32> to vector<256xf32>
    %broadcast_in_dim3A_33 = vector.shape_cast %reduce_min3A_32 : vector<256xf32> to vector<256x1xf32>
    %argmin3A_34 = tpu.reduce_index %slice3A_30 {axis = 1 : i32, kind = #tpu.reduction_kind<arg_min>} : vector<256x2048xf32> -> vector<256xi32>
    %add3A_35 = arith.constant 2048 : i32
    %add3A_36 = vector.broadcast %add3A_35 : i32 to vector<256xi32>
    %add3A_37 = arith.addi %argmin3A_34, %add3A_36 : vector<256xi32>
    %broadcast_in_dim3A_38 = vector.shape_cast %add3A_37 : vector<256xi32> to vector<256x1xi32>
    %neg3A_39 = arith.constant 0.000000e+00 : f32
    %neg3A_40 = vector.broadcast %neg3A_39 : f32 to vector<256x1xf32>
    %neg3A_41 = arith.subf %neg3A_40, %broadcast_in_dim3A_33 : vector<256x1xf32>
    %gt3A_42 = arith.cmpf ogt, %neg3A_41, %select_n3A : vector<256x1xf32>
    %convert_element_type3A_43 = arith.truncf %neg3A_41 : vector<256x1xf32> to vector<256x1xbf16>
    %convert_element_type3A_44 = arith.extf %convert_element_type3A_43 : vector<256x1xbf16> to vector<256x1xf32>
    %select_n3A_45 = arith.select %gt3A_42, %convert_element_type3A_44, %select_n3A : vector<256x1xi1>, vector<256x1xf32>
    %select_n3A_46 = arith.select %gt3A_42, %broadcast_in_dim3A_38, %select_n3A_29 : vector<256x1xi1>, vector<256x1xi32>
    %slice3A_47 = vector.extract_strided_slice %add3A_16 {offsets = [0, 4096], sizes = [256, 2048], strides = [1, 1]} : vector<256x8192xf32> to vector<256x2048xf32>
    %reduce_min3A_48 = arith.constant dense<0x7F800000> : vector<256xf32>
    %reduce_min3A_49 = vector.multi_reduction <minimumf>, %slice3A_47, %reduce_min3A_48 [1] : vector<256x2048xf32> to vector<256xf32>
    %broadcast_in_dim3A_50 = vector.shape_cast %reduce_min3A_49 : vector<256xf32> to vector<256x1xf32>
    %argmin3A_51 = tpu.reduce_index %slice3A_47 {axis = 1 : i32, kind = #tpu.reduction_kind<arg_min>} : vector<256x2048xf32> -> vector<256xi32>
    %add3A_52 = arith.constant 4096 : i32
    %add3A_53 = vector.broadcast %add3A_52 : i32 to vector<256xi32>
    %add3A_54 = arith.addi %argmin3A_51, %add3A_53 : vector<256xi32>
    %broadcast_in_dim3A_55 = vector.shape_cast %add3A_54 : vector<256xi32> to vector<256x1xi32>
    %neg3A_56 = arith.constant 0.000000e+00 : f32
    %neg3A_57 = vector.broadcast %neg3A_56 : f32 to vector<256x1xf32>
    %neg3A_58 = arith.subf %neg3A_57, %broadcast_in_dim3A_50 : vector<256x1xf32>
    %gt3A_59 = arith.cmpf ogt, %neg3A_58, %select_n3A_45 : vector<256x1xf32>
    %convert_element_type3A_60 = arith.truncf %neg3A_58 : vector<256x1xf32> to vector<256x1xbf16>
    %convert_element_type3A_61 = arith.extf %convert_element_type3A_60 : vector<256x1xbf16> to vector<256x1xf32>
    %select_n3A_62 = arith.select %gt3A_59, %convert_element_type3A_61, %select_n3A_45 : vector<256x1xi1>, vector<256x1xf32>
    %select_n3A_63 = arith.select %gt3A_59, %broadcast_in_dim3A_55, %select_n3A_46 : vector<256x1xi1>, vector<256x1xi32>
    %slice3A_64 = vector.extract_strided_slice %add3A_16 {offsets = [0, 6144], sizes = [256, 2048], strides = [1, 1]} : vector<256x8192xf32> to vector<256x2048xf32>
    %reduce_min3A_65 = arith.constant dense<0x7F800000> : vector<256xf32>
    %reduce_min3A_66 = vector.multi_reduction <minimumf>, %slice3A_64, %reduce_min3A_65 [1] : vector<256x2048xf32> to vector<256xf32>
    %broadcast_in_dim3A_67 = vector.shape_cast %reduce_min3A_66 : vector<256xf32> to vector<256x1xf32>
    %argmin3A_68 = tpu.reduce_index %slice3A_64 {axis = 1 : i32, kind = #tpu.reduction_kind<arg_min>} : vector<256x2048xf32> -> vector<256xi32>
    %add3A_69 = arith.constant 6144 : i32
    %add3A_70 = vector.broadcast %add3A_69 : i32 to vector<256xi32>
    %add3A_71 = arith.addi %argmin3A_68, %add3A_70 : vector<256xi32>
    %broadcast_in_dim3A_72 = vector.shape_cast %add3A_71 : vector<256xi32> to vector<256x1xi32>
    %neg3A_73 = arith.constant 0.000000e+00 : f32
    %neg3A_74 = vector.broadcast %neg3A_73 : f32 to vector<256x1xf32>
    %neg3A_75 = arith.subf %neg3A_74, %broadcast_in_dim3A_67 : vector<256x1xf32>
    %gt3A_76 = arith.cmpf ogt, %neg3A_75, %select_n3A_62 : vector<256x1xf32>
    %select_n3A_77 = arith.select %gt3A_76, %broadcast_in_dim3A_72, %select_n3A_63 : vector<256x1xi1>, vector<256x1xi32>
    %squeeze3A = vector.shape_cast %select_n3A_77 : vector<256x1xi32> to vector<256xi32>
    %swap3A = arith.constant 0 : index
    %swap3A_78 = vector.load %arg5[%swap3A] : memref<256xi32, #tpu.memory_space<vmem>>, vector<256xi32>
    tpu.vector_store %arg5[%swap3A], %squeeze3A {strides = array<i32>} : memref<256xi32, #tpu.memory_space<vmem>>, vector<256xi32>,
    %mul3A_79 = arith.constant 256 : i32
    %mul3A_80 = arith.muli %arg0, %mul3A_79 : i32
    %get3A_81 = arith.constant 0 : index
    %get3A_82 = arith.index_cast %mul3A_80 : i32 to index
    %get3A_83 = vector.load %arg4[%get3A_81, %get3A_82] : memref<32x8192xf32, #tpu.memory_space<vmem>>, vector<32x256xf32>
    %convert_element_type3A_84 = arith.truncf %get3A_83 : vector<32x256xf32> to vector<32x256xbf16>
    %convert_element_type3A_85 = arith.extf %convert_element_type3A_84 : vector<32x256xbf16> to vector<32x256xf32>
    %transpose3A = tpu.transpose %convert_element_type3A_85, [1, 0] : vector<32x256xf32> -> vector<256x32xf32>
    %broadcast_in_dim3A_86 = arith.constant 0.000000e+00 : f32
    %broadcast_in_dim3A_87 = vector.broadcast %broadcast_in_dim3A_86 : f32 to vector<256x96xf32>
    %concatenate3A = tpu.concatenate %transpose3A, %broadcast_in_dim3A_87 in 1 : vector<256x32xf32>, vector<256x96xf32> -> vector<256x128xf32>
    %swap3A_88 = arith.constant 0 : index
    %swap3A_89 = arith.constant 0 : index
    %swap3A_90 = vector.load %arg6[%swap3A_88, %swap3A_89] : memref<256x128xf32, #tpu.memory_space<vmem>>, vector<256x128xf32>
    tpu.vector_store %arg6[%swap3A_88, %swap3A_89], %concatenate3A {strides = array<i32>} : memref<256x128xf32, #tpu.memory_space<vmem>>, vector<256x128xf32>,
    return
  }
  func.func @transform_0(%arg0: i32) -> (i32, i32) {
    %c0_i32 = arith.constant 0 : i32
    %c0_i32_0 = arith.constant 0 : i32
    return %arg0, %c0_i32 : i32, i32
  }
  func.func @transform_1(%arg0: i32) -> (i32, i32) {
    %c0_i32 = arith.constant 0 : i32
    %c0_i32_0 = arith.constant 0 : i32
    return %arg0, %c0_i32 : i32, i32
  }
  func.func @transform_2(%arg0: i32) -> (i32, i32) {
    %c0_i32 = arith.constant 0 : i32
    %c0_i32_0 = arith.constant 0 : i32
    %c0_i32_1 = arith.constant 0 : i32
    return %c0_i32, %c0_i32_0 : i32, i32
  }
  func.func @transform_3(%arg0: i32) -> (i32, i32) {
    %c0_i32 = arith.constant 0 : i32
    %c0_i32_0 = arith.constant 0 : i32
    %c0_i32_1 = arith.constant 0 : i32
    return %c0_i32, %c0_i32_0 : i32, i32
  }
  func.func @transform_4(%arg0: i32) -> i32 {
    %c0_i32 = arith.constant 0 : i32
    return %arg0 : i32
  }
  func.func @transform_5(%arg0: i32) -> (i32, i32) {
    %c0_i32 = arith.constant 0 : i32
    %c0_i32_0 = arith.constant 0 : i32
    return %arg0, %c0_i32 : i32, i32
  }
}

module attributes {stable_mosaic.version = 14 : i64} {
  func.func @_finish_body(%arg0: i32, %arg1: memref<1024x32xf32, #tpu.memory_space<vmem>>, %arg2: memref<1024x128xf32, #tpu.memory_space<vmem>>, %arg3: memref<1x16384xf32, #tpu.memory_space<vmem>>, %arg4: memref<1024x32xf32, #tpu.memory_space<vmem>>, %arg5: memref<1x1xf32, #tpu.memory_space<vmem>>, %arg6: memref<1x1xf32, #tpu.memory_space<vmem>>, %arg7: memref<1xf32, #tpu.memory_space<smem>>) attributes {dimension_semantics = [#tpu.dimension_semantics<arbitrary>], iteration_bounds = array<i64: 8>, scalar_prefetch = 0 : i64, scratch_operands = 1 : i64, tpu.core_type = #tpu.core_type<tc>, window_params = [{transform_indices = @transform_0, window_bounds = array<i64: 1024, 32>}, {transform_indices = @transform_1, window_bounds = array<i64: 1024, 128>}, {pipeline_mode = #tpu.pipeline_mode<synchronous>, transform_indices = @transform_2, window_bounds = array<i64: 1, 16384>}, {transform_indices = @transform_3, window_bounds = array<i64: 1024, 32>}, {pipeline_mode = #tpu.pipeline_mode<synchronous>, transform_indices = @transform_4, window_bounds = array<i64: 1, 1>}, {pipeline_mode = #tpu.pipeline_mode<synchronous>, transform_indices = @transform_5, window_bounds = array<i64: 1, 1>}]} {
    %get3A = arith.constant 0 : index
    %get3A_0 = arith.constant 0 : index
    %get3A_1 = vector.load %arg1[%get3A, %get3A_0] : memref<1024x32xf32, #tpu.memory_space<vmem>>, vector<1024x32xf32>
    %get3A_2 = arith.constant 0 : index
    %get3A_3 = arith.constant 0 : index
    %get3A_4 = vector.load %arg2[%get3A_2, %get3A_3] : memref<1024x128xf32, #tpu.memory_space<vmem>>, vector<1024x32xf32>
    %sub3A = arith.subf %get3A_4, %get3A_1 : vector<1024x32xf32>
    %add3A = arith.addf %get3A_1, %sub3A : vector<1024x32xf32>
    %swap3A = arith.constant 0 : index
    %swap3A_5 = arith.constant 0 : index
    %swap3A_6 = vector.load %arg4[%swap3A, %swap3A_5] : memref<1024x32xf32, #tpu.memory_space<vmem>>, vector<1024x32xf32>
    tpu.vector_store %arg4[%swap3A, %swap3A_5], %add3A {strides = array<i32>} : memref<1024x32xf32, #tpu.memory_space<vmem>>, vector<1024x32xf32>,
    %sub3A_7 = arith.subf %get3A_4, %get3A_1 : vector<1024x32xf32>
    %mul3A = arith.mulf %sub3A_7, %sub3A_7 : vector<1024x32xf32>
    %reduce_sum3A = vector.shape_cast %mul3A : vector<1024x32xf32> to vector<1x1024x32xf32>
    %reduce_sum3A_8 = arith.constant dense<0.000000e+00> : vector<1xf32>
    %reduce_sum3A_9 = vector.multi_reduction <add>, %reduce_sum3A, %reduce_sum3A_8 [1, 2] : vector<1x1024x32xf32> to vector<1xf32>
    %reduce_sum3A_10 = vector.shape_cast %reduce_sum3A_9 : vector<1xf32> to vector<1x1x1xf32>
    %reduce_sum3A_11 = vector.extract %reduce_sum3A_10[0, 0, 0] : f32 from vector<1x1x1xf32>
    %eq3A = arith.constant 0 : i32
    %eq3A_12 = arith.cmpi eq, %arg0, %eq3A : i32
    %convert_element_type3A = arith.extui %eq3A_12 : i1 to i32
    %cond3A = arith.constant 0 : i32
    %cond3A_13 = arith.cmpi ne, %convert_element_type3A, %cond3A : i32
    scf.if %cond3A_13 {
      %swap3A_23 = arith.constant 0 : index
      %swap3A_24 = memref.load %arg7[%swap3A_23] : memref<1xf32, #tpu.memory_space<smem>>
      memref.store %reduce_sum3A_11, %arg7[%swap3A_23] : memref<1xf32, #tpu.memory_space<smem>>
    } else {
    }
    %gt3A = arith.constant 0 : i32
    %gt3A_14 = arith.cmpi sgt, %arg0, %gt3A : i32
    %convert_element_type3A_15 = arith.extui %gt3A_14 : i1 to i32
    %cond3A_16 = arith.constant 0 : i32
    %cond3A_17 = arith.cmpi ne, %convert_element_type3A_15, %cond3A_16 : i32
    scf.if %cond3A_17 {
      %get3A_23 = arith.constant 0 : index
      %get3A_24 = memref.load %arg7[%get3A_23] : memref<1xf32, #tpu.memory_space<smem>>
      %add3A_25 = arith.addf %get3A_24, %reduce_sum3A_11 : f32
      %swap3A_26 = arith.constant 0 : index
      %swap3A_27 = memref.load %arg7[%swap3A_26] : memref<1xf32, #tpu.memory_space<smem>>
      memref.store %add3A_25, %arg7[%swap3A_26] : memref<1xf32, #tpu.memory_space<smem>>
    } else {
    }
    %eq3A_18 = arith.constant 7 : i32
    %eq3A_19 = arith.cmpi eq, %arg0, %eq3A_18 : i32
    %convert_element_type3A_20 = arith.extui %eq3A_19 : i1 to i32
    %cond3A_21 = arith.constant 0 : i32
    %cond3A_22 = arith.cmpi ne, %convert_element_type3A_20, %cond3A_21 : i32
    scf.if %cond3A_22 {
      %get3A_23 = arith.constant 0 : index
      %get3A_24 = memref.load %arg7[%get3A_23] : memref<1xf32, #tpu.memory_space<smem>>
      %div3A = arith.constant 2.621440e+05 : f32
      %div3A_25 = arith.divf %get3A_24, %div3A : f32
      %mul3A_26 = arith.constant 2.500000e-01 : f32
      %mul3A_27 = arith.mulf %mul3A_26, %div3A_25 : f32
      %add3A_28 = arith.addf %div3A_25, %mul3A_27 : f32
      %broadcast_in_dim3A = vector.broadcast %add3A_28 : f32 to vector<1x1xf32>
      %swap3A_29 = arith.constant 0 : index
      %swap3A_30 = arith.constant 0 : index
      %swap3A_31 = vector.load %arg5[%swap3A_29, %swap3A_30] : memref<1x1xf32, #tpu.memory_space<vmem>>, vector<1x1xf32>
      tpu.vector_store %arg5[%swap3A_29, %swap3A_30], %broadcast_in_dim3A {strides = array<i32>} : memref<1x1xf32, #tpu.memory_space<vmem>>, vector<1x1xf32>,
      %get3A_32 = arith.constant 0 : index
      %get3A_33 = arith.constant 0 : index
      %get3A_34 = vector.load %arg3[%get3A_32, %get3A_33] : memref<1x16384xf32, #tpu.memory_space<vmem>>, vector<1x8192xf32>
      %get3A_35 = arith.constant 0 : index
      %get3A_36 = arith.constant 8192 : index
      %get3A_37 = vector.load %arg3[%get3A_35, %get3A_36] : memref<1x16384xf32, #tpu.memory_space<vmem>>, vector<1x8192xf32>
      %add3A_38 = arith.addf %get3A_34, %get3A_37 : vector<1x8192xf32>
      %mul3A_39 = arith.constant 1.22070313E-4 : f32
      %mul3A_40 = vector.broadcast %mul3A_39 : f32 to vector<1x8192xf32>
      %mul3A_41 = arith.mulf %add3A_38, %mul3A_40 : vector<1x8192xf32>
      %add3A_42 = arith.constant 1.000000e-10 : f32
      %add3A_43 = vector.broadcast %add3A_42 : f32 to vector<1x8192xf32>
      %add3A_44 = arith.addf %mul3A_41, %add3A_43 : vector<1x8192xf32>
      %log3A = math.log %add3A_44 : vector<1x8192xf32>
      %mul3A_45 = arith.mulf %mul3A_41, %log3A : vector<1x8192xf32>
      %reduce_sum3A_46 = arith.constant dense<0.000000e+00> : vector<1xf32>
      %reduce_sum3A_47 = vector.multi_reduction <add>, %mul3A_45, %reduce_sum3A_46 [1] : vector<1x8192xf32> to vector<1xf32>
      %broadcast_in_dim3A_48 = vector.shape_cast %reduce_sum3A_47 : vector<1xf32> to vector<1x1xf32>
      %neg3A = arith.constant 0.000000e+00 : f32
      %neg3A_49 = vector.broadcast %neg3A : f32 to vector<1x1xf32>
      %neg3A_50 = arith.subf %neg3A_49, %broadcast_in_dim3A_48 : vector<1x1xf32>
      %exp3A = math.exp %neg3A_50 : vector<1x1xf32>
      %swap3A_51 = arith.constant 0 : index
      %swap3A_52 = arith.constant 0 : index
      %swap3A_53 = vector.load %arg6[%swap3A_51, %swap3A_52] : memref<1x1xf32, #tpu.memory_space<vmem>>, vector<1x1xf32>
      tpu.vector_store %arg6[%swap3A_51, %swap3A_52], %exp3A {strides = array<i32>} : memref<1x1xf32, #tpu.memory_space<vmem>>, vector<1x1xf32>,
    } else {
    }
    return
  }
  func.func @transform_0(%arg0: i32) -> (i32, i32) {
    %c0_i32 = arith.constant 0 : i32
    %c0_i32_0 = arith.constant 0 : i32
    return %arg0, %c0_i32 : i32, i32
  }
  func.func @transform_1(%arg0: i32) -> (i32, i32) {
    %c0_i32 = arith.constant 0 : i32
    %c0_i32_0 = arith.constant 0 : i32
    return %arg0, %c0_i32 : i32, i32
  }
  func.func @transform_2(%arg0: i32) -> (i32, i32) {
    %c0_i32 = arith.constant 0 : i32
    %c0_i32_0 = arith.constant 0 : i32
    %c0_i32_1 = arith.constant 0 : i32
    return %c0_i32, %c0_i32_0 : i32, i32
  }
  func.func @transform_3(%arg0: i32) -> (i32, i32) {
    %c0_i32 = arith.constant 0 : i32
    %c0_i32_0 = arith.constant 0 : i32
    return %arg0, %c0_i32 : i32, i32
  }
  func.func @transform_4(%arg0: i32) -> (i32, i32) {
    %c0_i32 = arith.constant 0 : i32
    %c0_i32_0 = arith.constant 0 : i32
    %c0_i32_1 = arith.constant 0 : i32
    return %c0_i32, %c0_i32_0 : i32, i32
  }
  func.func @transform_5(%arg0: i32) -> (i32, i32) {
    %c0_i32 = arith.constant 0 : i32
    %c0_i32_0 = arith.constant 0 : i32
    %c0_i32_1 = arith.constant 0 : i32
    return %c0_i32, %c0_i32_0 : i32, i32
  }
}

</mosaic_0001>

<sc_bundles>
// kernel: kernel.5.cloned.1.call-start
scs
__scs_entry_jumppad:
0x0: {  	(pc) =	sbr.rel $0x88, $3  }
0x1: {  	(tag) =	ssettag $0x0;
	lr =	simm.s32 $0x1  }
0x2: {  	[smem:$0x3F9F] =	sst lr;
	_ =	strace $0xD0000000  }
0x3: {  	_ = 	snop  }
0x4: {  	_ = 	snop  }
0x5: {  	_ = 	snop  }
0x6: {  	_ = 	snop  }
0x7: {  	_ = 	snop  }
__scs_overlays_trampoline_lowered:
0x8: {  	[smem:$0x3FAE] =	sst s0  }
0x9: {  	[smem:$0x3FAF] =	sst s1  }
0xa: {  	[smem:$0x3FB0] =	sst s2  }
0xb: {  	[smem:$0x3FB1] =	sst s3  }
0xc: {  	[smem:$0x3FB2] =	sst s4  }
0xd: {  	[smem:$0x3FB3] =	sst s5  }
0xe: {  	[smem:$0x3FB4] =	sst s6  }
0xf: {  	[smem:$0x3FB5] =	sst s7  }
0x10: {  	[smem:$0x3FB6] =	sst s8  }
0x11: {  	[smem:$0x3FB7] =	sst s9;
	s0 =	simm.s32 @!p0 $0x0  }
0x12: {  	s1 =	sld [smem:$0x3F9D];
	s0 =	simm.s32 @p0 $0x1  }
0x13: {  	[smem:$0x3FB8] =	sst s0;
	s0 =	simm.s32 @!p1 $0x0  }
0x14: {  	s2 =	sld [smem:$0x3F9C];
	s0 =	simm.s32 @p1 $0x1  }
0x15: {  	[smem:$0x3FB9] =	sst s0;
	s0 =	simm.s32 @!p2 $0x0  }
0x16: {  	s3 =	sld [smem:$0x3FDB];
	s0 =	simm.s32 @p2 $0x1  }
0x17: {  	s4 =	simm.s32 $0x1BF5;
	[smem:$0x3FBB] =	sst s0  }
0x18: {  	s0 =	sld [smem:$0x3F9E];
	_ =	swait.ge [sflag:s4], $0x0  }
0x19: {  	s7 =	sld [smem:$0x3F9F]  }
0x1a: {  	s8 =	sadd.s32 $0xFFFFE003, lr  }
0x1b: {  	s9 =	sadd.s32 $0xFFFFFEF7, lr;
	s5 =	simm.s32 $0xFFFFFFFF;
	p2 =	slt.u32 s8, $0xFFFFF086  }
0x1c: {  	p1 =	slt.u32 s9, $0xF7A;
	s5 =	simm.s32 @!p2 $0x0  }
0x1d: {  	s5 =	simm.s32 @p1 $0x1;
	p0 =	seq.s32 s7, s2  }
0x1e: {  	s7 =	smul.u32 @!p0 $0xF7A, s2;
	p2 =	seq.s32 @!p0 s5, $0x0  }
0x1f: {  	s9 =	smul.u32 $0xF7A, s1;
	s8 =	simm.s32 @!p0 $0x1BF5;
	p2 =	por !p2, p0  }
0x20: {  	[sflag:s8] =	ssyncset.s32 @!p0 $0xFFFFF086;
	s6 =	sadd.s32 @!p0 s3, s7;
	s7 =	simm.s32 @!p0 $0x108  }
0x21: {  	s3 =	sadd.s32 s3, s9;
	s6 =	sadd.s32 @!p0 $0x88, s6;
	s7 =	simm.s32 @p2 $0x1082  }
0x22: {  	[simem:s7], [sflag:s8] =	dma.local @!p0 [hbm:s6], $0xF7A  }
0x23: {  	s9 =	sor.u32 $0xD0000000, s2;
	s6 =	simm.s32 $0x108;
	_ =	swait.ge @!p0 [sflag:s8], $0x0  }
0x24: {  	s3 =	sadd.s32 $0x88, s3;
	s6 =	simm.s32 @!p1 $0x1082;
	[sflag:s4] =	ssyncset.s32 $0xFFFFF086  }
0x25: {  	[simem:s6], [sflag:s4] =	dma.local [hbm:s3], $0xF7A  }
0x26: {  	[smem:$0x3F9F] =	sst s1;
	(tag) =	ssettag s2;
	_ =	strace s9  }
0x27: {  	s1 =	sld [smem:$0x3FAF]  }
0x28: {  	s2 =	sld [smem:$0x3FB0]  }
0x29: {  	s4 =	sld [smem:$0x3FB2]  }
0x2a: {  	p0 =	seq.s32 s5, $0x0;
	s5 =	sld [smem:$0x3FB3]  }
0x2b: {  	s6 =	sld [smem:$0x3FB4]  }
0x2c: {  	s7 =	sld [smem:$0x3FB5]  }
0x2d: {  	s3 =	simm.s32 $0x108;
	s8 =	sld [smem:$0x3FB6]  }
0x2e: {  	s3 =	simm.s32 @!p0 $0x1082;
	s9 =	sld [smem:$0x3FB7]  }
0x2f: {  	lr =	sadd.s32 s0, s3;
	s0 =	sld [smem:$0x3FAE]  }
0x30: {  	s3 =	sld [smem:$0x3FB1]  }
0x31: {  	[smem:$0x3FBA] =	sst s10  }
0x32: {  	s10 =	sld [smem:$0x3FB8];
	_ =	sdelay $0x3  }
0x33: {  	p0 =	seq.s32 s10, $0x1;
	s10 =	sld [smem:$0x3FBA];
	_ =	sdelay $0x3  }
0x34: {  	[smem:$0x3FBA] =	sst s10  }
0x35: {  	s10 =	sld [smem:$0x3FB9];
	_ =	sdelay $0x3  }
0x36: {  	p1 =	seq.s32 s10, $0x1;
	s10 =	sld [smem:$0x3FBA];
	_ =	sdelay $0x3  }
0x37: {  	[smem:$0x3FBA] =	sst s10  }
0x38: {  	s10 =	sld [smem:$0x3FBB]  }
0x39: {  	_ = 	snop;
	(pc) =	sbr.ind lr, $3  }
0x3a: {  	_ = 	snop  }
0x3b: {  	_ = 	snop  }
0x3c: {  	p2 =	seq.s32 s10, $0x1;
	s10 =	sld [smem:$0x3FBA]  }
0x3d: {  	_ =	shalt  }
0x3e: {  	_ =	shalt  }
0x3f: {  	_ =	shalt  }
0x40: {  	_ =	shalt  }
0x41: {  	_ =	shalt  }
0x42: {  	_ =	shalt  }
0x43: {  	_ =	shalt  }
0x44: {  	_ =	shalt  }
0x45: {  	_ =	shalt  }
0x46: {  	_ =	shalt  }
0x47: {  	_ =	shalt  }
0x48: {  	_ =	shalt  }
0x49: {  	_ =	shalt  }
0x4a: {  	_ =	shalt  }
0x4b: {  	_ =	shalt  }
0x4c: {  	_ =	shalt  }
0x4d: {  	_ =	shalt  }
0x4e: {  	_ =	shalt  }
0x4f: {  	_ =	shalt  }
0x50: {  	_ =	shalt  }
0x51: {  	_ =	shalt  }
0x52: {  	_ =	shalt  }
0x53: {  	_ =	shalt  }
0x54: {  	_ =	shalt  }
0x55: {  	_ =	shalt  }
0x56: {  	_ =	shalt  }
0x57: {  	_ =	shalt  }
0x58: {  	_ =	shalt  }
0x59: {  	_ =	shalt  }
0x5a: {  	_ =	shalt  }
0x5b: {  	_ =	shalt  }
0x5c: {  	_ =	shalt  }
0x5d: {  	_ =	shalt  }
0x5e: {  	_ =	shalt  }
0x5f: {  	_ =	shalt  }
0x60: {  	_ =	shalt  }
0x61: {  	_ =	shalt  }
0x62: {  	_ =	shalt  }
0x63: {  	_ =	shalt  }
0x64: {  	_ =	shalt  }
0x65: {  	_ =	shalt  }
0x66: {  	_ =	shalt  }
0x67: {  	_ =	shalt  }
0x68: {  	_ =	shalt  }
0x69: {  	_ =	shalt  }
0x6a: {  	_ =	shalt  }
0x6b: {  	_ =	shalt  }
0x6c: {  	_ =	shalt  }
0x6d: {  	_ =	shalt  }
0x6e: {  	_ =	shalt  }
0x6f: {  	_ =	shalt  }
0x70: {  	_ =	shalt  }
0x71: {  	_ =	shalt  }
0x72: {  	_ =	shalt  }
0x73: {  	_ =	shalt  }
0x74: {  	_ =	shalt  }
0x75: {  	_ =	shalt  }
0x76: {  	_ =	shalt  }
0x77: {  	_ =	shalt  }
0x78: {  	_ =	shalt  }
0x79: {  	_ =	shalt  }
0x7a: {  	_ =	shalt  }
0x7b: {  	_ =	shalt  }
0x7c: {  	_ =	shalt  }
0x7d: {  	_ =	shalt  }
0x7e: {  	_ =	shalt  }
0x7f: {  	_ =	shalt  }
0x80: {  	_ =	shalt  }
0x81: {  	_ =	shalt  }
0x82: {  	_ =	shalt  }
0x83: {  	_ =	shalt  }
0x84: {  	_ =	shalt  }
0x85: {  	_ =	shalt  }
0x86: {  	_ =	shalt  }
0x87: {  	_ =	shalt  }
.Lfunc_end0:
.L_simem_size_0:
called_computation_lowered:
.L_overlay_start_0:
0x88: {  	s2 =	sld [smem:$0x3FD9]  }
0x89: {  	s3 =	sld [smem:$0x3FFE];
	_ =	sdelay $0x1  }
0x8a: {  	s1 =	srdreg.scid  }
0x8b: {  	s0 =	sand.u32 $0x1, s1  }
0x8c: {  	s14 =	sshll.u32 s0, $0xA;
	s2 =	sadd.s32 s3, s2  }
0x8d: {  	s2 =	sadd.s32 s2, s14  }
0x8e: {  	[smem:$0x3FC6] =	sst s2  }
0x8f: {  	_ = 	snop  }
0x90: {  	s2 =	sld [smem:$0x3FD0];
	_ =	sdelay $0x2  }
0x91: {  	s15 =	simm.s32 $0xA;
	s4 =	simm.s32 $0x10  }
0x92: {  	[smem:s4], [sflag:s15] =	dma.local [hbm:s2], $0x1  }
0x93: {  	_ =	swait.eq [sflag:s15], $0x1  }
0x94: {  	[sflag:s15] =	ssyncset.done $0x0  }
0x95: {  	[sflag:s15] =	ssyncadd.s32 $0xFFFFFFFF  }
0x96: {  	s16 =	sld [smem:$0x11];
	(tm) =	ssettm $0x1  }
0x97: {  	s17 =	sld [smem:$0x3FFB];
	_ =	sdelay $0x3  }
0x98: {  	_ =	strace s17  }
0x99: {  	s3 =	sld [smem:$0x3FFC];
	_ =	sdelay $0x3  }
0x9a: {  	_ =	strace s3  }
0x9b: {  	s3 =	sld [smem:$0x3FFD];
	_ =	sdelay $0x3  }
0x9c: {  	_ =	strace s3  }
0x9d: {  	_ =	strace $0x8FFFFFFF  }
0x9e: {  	s18 =	sld [smem:$0x3FDB];
	_ =	sdelay $0x1  }
0x9f: {  	s19 =	simm.s32 $_scs_section_size  }
0xa0: {  	s5 =	simm.s32 $_size__tile_overlayer_lowered;
	s6 =	simm.s32 $_tile_overlayer_lowered  }
0xa1: {  	s22 =	simm.s32 $0x1BFF;
	s21 =	sshll.u32 s6, $0x1;
	s3 =	sadd.s32 s19, s18  }
0xa2: {  	s7 =	simm.s32 $0x0;
	s20 =	sshll.u32 s5, $0x1;
	s5 =	sadd.s32 s21, s3  }
0xa3: {  	[timem:s7], [sflag:s22] =	dma.local [hbm:s5], s20  }
0xa4: {  	_ =	swait.ge [sflag:s22], s20  }
0xa5: {  	s4 =	ssub.s32 $0x0, s20;
	[sflag:s22] =	ssyncset.done $0x0  }
0xa6: {  	[sflag:s22] =	ssyncadd.s32 s4;
	_ =	sdelay $0x1  }
0xa7: {  	s23 =	simm.s32 $0x1B8B  }
0xa8: {  	_ =	swait.ge [sflag:s23], $0x1  }
0xa9: {  	[sflag:s23] =	ssyncset.done $0x0  }
0xaa: {  	s25 =	simm.s32 $0x1B8E;
	s24 =	sld [smem:$0x3FFE];
	[sflag:s23] =	ssyncadd.s32 $0xFFFFFFFF  }
0xab: {  	s26 =	simm.s32 $execute0_lowered;
	[smem:$0x3FD2] =	sst s25  }
0xac: {  	s5 =	sshll.u32 s26, $0x1;
	_ =	strace $0x80000046;
	[dreg:$0x1] =	wrdreg $0xFFFFFFFF  }
0xad: {  	s28 =	simm.s32 $_size_execute0_lowered;
	s3 =	sadd.s32 s3, s5;
	[dreg:$0x0] =	wrdreg $0x0  }
0xae: {  	s5 =	sshll.u32 s28, $0x1;
	[dreg:$0x2] =	wrdreg s3  }
0xaf: {  	[dreg:$0x3] =	wrdreg s5  }
0xb0: {  	[dreg:$0x4] =	wrdreg $0xC0  }
0xb1: {  	_ =	task [dreg:s7], $0x5FFFF  }
0xb2: {  	[dreg:$0x1] =	wrdreg $0xFFFFFFFF  }
0xb3: {  	[dreg:$0x0] =	wrdreg $0x60  }
0xb4: {  	[dreg:$0x2] =	wrdreg s24  }
0xb5: {  	[dreg:$0x3] =	wrdreg s16  }
0xb6: {  	[dreg:$0x4] =	wrdreg $0x84000  }
0xb7: {  	[dreg:$0x5] =	wrdreg $0x9  }
0xb8: {  	_ =	task.clear_ibuf [dreg:s7], $0x6FFFF;
	_ =	strace $0x90000046  }
0xb9: {  	s29 =	simm.s32 $0x9;
	_ =	strace $0x80000048  }
0xba: {  	_ =	swait.ge [sflag:s29], $0x1  }
0xbb: {  	[sflag:s29] =	ssyncadd.s32 $0xFFFFFFFF  }
0xbc: {  	_ =	strace $0x90000048  }
0xbd: {  	_ =	sfence  }
0xbe: {  	s30 =	sld [smem:$0x0];
	_ =	sdelay $0x2  }
0xbf: {  	s31 =	sshll.u32 s1, $0xD;
	s1 =	sshrl.u32 s1, $0x2  }
0xc0: {  	s3 =	sand.u32 $0x4000, s31;
	s1 =	sadd.s32 s1, s30  }
0xc1: {  	s0 =	sor.u32 s3, s0;
	s1 =	sshll.u32 s1, $0x11  }
0xc2: {  	s0 =	sor.u32 s1, s0  }
0xc3: {  	s0 =	sadd.s32 $0x8F2B, s0  }
0xc4: {  	[sflag:s0] =	ssyncadd.remote.s32 $0x1  }
0xc5: {  	_ =	sfence.sel $0xFFFF  }
0xc6: {  	[dreg:$0x0] =	wrdreg $0xFFFFFFFF;
	(pc) =	sbr.abs _section_cstart, $3  }
0xc7: {  	[dreg:$0x1] =	wrdreg $0xFFFFFFFF  }
0xc8: {  	_ =	task.clear_ibuf [dreg:s7], $0x2FFFF;
	_ =	strace $0x9FFFFFFF  }
0xc9: {  	(tm) =	ssettm $0x7FFFFFFF  }
tec
execute0_lowered:
.L_overlay_start_1:
0x0: {  	(tag) =	ssettag $0x1  }
0x1: {  	s10 =	rddreg [dreg:$0x0]  }
0x2: {  	s12 =	rddreg [dreg:$0x1]  }
0x3: {  	s1 =	rddreg [dreg:$0x2];
	s2 =	simm.s32 $0x0  }
0x4: {  	v0 =	vimm.f32 $1.000000000e+00;
	[smem:$0x7FF] =	sst s2  }
0x5: {  	s0 =	rddreg [dreg:$0x3];
	_ =	strace $0x80000047;
	[tilespmem:$0x8120] =	vst v0  }
0x6: {  	[tilespmem:$0x8130] =	vst v0  }
0x7: {  	[tilespmem:$0x8140] =	vst v0  }
0x8: {  	[tilespmem:$0x8150] =	vst v0  }
0x9: {  	[tilespmem:$0x8160] =	vst v0  }
0xa: {  	[tilespmem:$0x8170] =	vst v0  }
0xb: {  	[tilespmem:$0x8180] =	vst v0  }
0xc: {  	[tilespmem:$0x8190] =	vst v0  }
0xd: {  	[tilespmem:$0x81A0] =	vst v0  }
0xe: {  	[tilespmem:$0x81B0] =	vst v0  }
0xf: {  	[tilespmem:$0x81C0] =	vst v0  }
0x10: {  	[tilespmem:$0x81D0] =	vst v0  }
0x11: {  	[tilespmem:$0x81E0] =	vst v0  }
0x12: {  	v1 =	vimm.f32 $0.0e+00;
	[tilespmem:$0x8100] =	vst v0  }
0x13: {  	[tilespmem:$0x83F0] =	vst v1  }
0x14: {  	[tilespmem:$0x83E0] =	vst v1  }
0x15: {  	[tilespmem:$0x83D0] =	vst v1  }
0x16: {  	[tilespmem:$0x83C0] =	vst v1  }
0x17: {  	[tilespmem:$0x83B0] =	vst v1  }
0x18: {  	[tilespmem:$0x83A0] =	vst v1  }
0x19: {  	[tilespmem:$0x8390] =	vst v1  }
0x1a: {  	[tilespmem:$0x8380] =	vst v1  }
0x1b: {  	[tilespmem:$0x8370] =	vst v1  }
0x1c: {  	[tilespmem:$0x8360] =	vst v1  }
0x1d: {  	[tilespmem:$0x8350] =	vst v1  }
0x1e: {  	[tilespmem:$0x8340] =	vst v1  }
0x1f: {  	[tilespmem:$0x8330] =	vst v1  }
0x20: {  	[tilespmem:$0x8320] =	vst v1  }
0x21: {  	[tilespmem:$0x8310] =	vst v1  }
0x22: {  	[tilespmem:$0x8300] =	vst v1  }
0x23: {  	[tilespmem:$0x82F0] =	vst v1  }
0x24: {  	[tilespmem:$0x82E0] =	vst v1  }
0x25: {  	[tilespmem:$0x82D0] =	vst v1  }
0x26: {  	[tilespmem:$0x82C0] =	vst v1  }
0x27: {  	[tilespmem:$0x82B0] =	vst v1  }
0x28: {  	[tilespmem:$0x82A0] =	vst v1  }
0x29: {  	[tilespmem:$0x8290] =	vst v1  }
0x2a: {  	[tilespmem:$0x8280] =	vst v1  }
0x2b: {  	[tilespmem:$0x8270] =	vst v1  }
0x2c: {  	[tilespmem:$0x8260] =	vst v1  }
0x2d: {  	[tilespmem:$0x8250] =	vst v1  }
0x2e: {  	[tilespmem:$0x8240] =	vst v1  }
0x2f: {  	[tilespmem:$0x8230] =	vst v1  }
0x30: {  	[tilespmem:$0x8220] =	vst v1  }
0x31: {  	s3 =	srdreg.scid;
	[tilespmem:$0x8210] =	vst v1  }
0x32: {  	s13 =	stileid.u32;
	s11 =	sand.u32 $0x1, s3;
	[tilespmem:$0x8200] =	vst v1  }
0x33: {  	s5 =	simm.s32 $0x2;
	s30 =	sshll.u32 s13, $0x9;
	s4 =	sshll.u32 s11, $0x8;
	[tilespmem:$0x81F0] =	vst v0  }
0x34: {  	s3 =	sadd.s32 s30, s1;
	[tilespmem:$0x8110] =	vst v0;
	s14 =	sor.u32 s4, s30;
	s4 =	simm.s32 $0x8200  }
0x35: {  	[spmem:s3] =	stream.linear.scatter [tilespmem:s4], [sflag:$0x2], $0x200, $0x38;
	[tilespmem:$0x8600] =	vst v63  }
0x36: {  	s6 =	sshrl.u32 s14, $0x3;
	_ =	swait.ge [sflag:s5], $0x200  }
0x37: {  	s6 =	sadd.s32 s6, s10;
	[sflag:s5] =	ssyncset.done $0x0  }
0x38: {  	s6 =	sadd.s32 $0x21000, s6;
	[sflag:s5] =	ssyncadd.s32 $0xFFFFFE00  }
0x39: {  	[tilespmem:s2], [sflag:$0x2] =	stream.linear.gather [hbm4b:s6+s2], $0x100, $0x38;
	[tilespmem:$0x8600] =	vst v63  }
0x3a: {  	_ =	swait.ge [sflag:s5], $0x100  }
0x3b: {  	s8 =	simm.s32 $0x100;
	[sflag:s5] =	ssyncset.done $0x0  }
0x3c: {  	s9 =	simm.s32 $0x1;
	s7 =	sadd.s32 $0x1000, s10;
	[sflag:s5] =	ssyncadd.s32 $0xFFFFFF00  }
0x3d: {  	[tilespmem:s8], [sflag:$0x1] =	stream.indirect.gather [hbm4b:s7+s8], $0x80, s2, s8, $0xb8;
	[tilespmem:$0x8600] =	vst v63  }
0x3e: {  	s14 =	sshll.u32 s14, $0x4;
	_ =	swait.ge [sflag:s9], $0x8000  }
0x3f: {  	s10 =	sadd.s32 s14, s10;
	[sflag:s9] =	ssyncset.done $0x0  }
0x40: {  	s10 =	sadd.s32 $0x21400, s10;
	[sflag:s9] =	ssyncadd.s32 $0xFFFF8000  }
0x41: {  	[hbm4b:s10+s2] =	stream.linear.scatter [tilespmem:s8], [sflag:$0x2], $0x8000, $0x38;
	[tilespmem:$0x8600] =	vst v63  }
0x42: {  	s31 =	ssub.s32 $0x2, s11;
	_ =	swait.ge [sflag:s5], $0x8000  }
0x43: {  	s15 =	sshrl.u32 s31, $0x1;
	[sflag:s5] =	ssyncset.done $0x0  }
0x44: {  	s16 =	sshll.u32 s11, $0xA;
	s14 =	ssub.s32 s31, s15;
	[sflag:s5] =	ssyncadd.s32 $0xFFFF8000  }
0x45: {  	s11 =	simm.s32 $0x8100;
	s14 =	smax.u32 s14, $0x1;
	[bflag:$0x0] =	sbarrier.arrive $0xFFFF  }
0x46: {  	[spmem:s1] =	stream.indirect.scatter.add.f32 [tilespmem:s11], [sflag:$0x2], $0x1, s2, s8, $0xb8;
	[tilespmem:$0x8600] =	vst v63  }
0x47: {  	p0 =	sne.s32 s13, $0x0;
	s15 =	sadd.s32 $0xFFFFFFFF, s14;
	_ =	swait.ge [sflag:s5], $0x100  }
0x48: {  	s13 =	sshrl.u32 @!p0 s1, $0x3;
	p1 =	sne.s32 s15, $0x0;
	[sflag:s5] =	ssyncset.done $0x0  }
.Ltmp0:
0x49: {  	s12 =	sadd.s32 s12, s16;
	[sflag:s5] =	ssyncadd.s32 $0xFFFFFF00;
	(pc) =	sbr.rel @!p1 .LBB2_2-.Ltmp0, $4  }
0x4a: {  	s16 =	simm.s32 @!p0 $0x1C02;
	s14 =	simm.s32 @!p0 $0x2;
	[bflag:$0x0] =	sbarrier.arrive $0xFFFF  }
0x4b: {  	[hbm:s12], [sflag:s16] =	dma.local @!p0 [spmem:s13], $0x400  }
0x4c: {  	_ =	swait.ge @!p0 [sflag:s14], $0x400  }
0x4d: {  	[sflag:s14] =	ssyncset.done @!p0 $0x0  }
.LBB2_1:
0x4e: {  	s15 =	sadd.s32 $0xFFFFFFFF, s15;
	[sflag:s14] =	ssyncadd.s32 @!p0 $0xFFFFFC00  }
0x4f: {  	[tilespmem:$0x8120] =	vst v0;
	p1 =	sne.s32 s15, $0x0  }
0x50: {  	[tilespmem:$0x8130] =	vst v0  }
0x51: {  	[tilespmem:$0x8140] =	vst v0  }
0x52: {  	[tilespmem:$0x8150] =	vst v0  }
0x53: {  	[tilespmem:$0x8160] =	vst v0  }
0x54: {  	[tilespmem:$0x8170] =	vst v0  }
0x55: {  	[tilespmem:$0x8180] =	vst v0  }
0x56: {  	[tilespmem:$0x8190] =	vst v0  }
0x57: {  	[tilespmem:$0x81A0] =	vst v0  }
0x58: {  	[tilespmem:$0x81B0] =	vst v0  }
0x59: {  	[tilespmem:$0x81C0] =	vst v0  }
0x5a: {  	[tilespmem:$0x81D0] =	vst v0  }
0x5b: {  	[tilespmem:$0x81E0] =	vst v0  }
0x5c: {  	[tilespmem:$0x8100] =	vst v0  }
0x5d: {  	[tilespmem:$0x83F0] =	vst v1  }
0x5e: {  	[tilespmem:$0x83E0] =	vst v1  }
0x5f: {  	[tilespmem:$0x83D0] =	vst v1  }
0x60: {  	[tilespmem:$0x83C0] =	vst v1  }
0x61: {  	[tilespmem:$0x83B0] =	vst v1  }
0x62: {  	[tilespmem:$0x83A0] =	vst v1  }
0x63: {  	[tilespmem:$0x8390] =	vst v1  }
0x64: {  	[tilespmem:$0x8380] =	vst v1  }
0x65: {  	[tilespmem:$0x8370] =	vst v1  }
0x66: {  	[tilespmem:$0x8360] =	vst v1  }
0x67: {  	[tilespmem:$0x8350] =	vst v1  }
0x68: {  	[tilespmem:$0x8340] =	vst v1  }
0x69: {  	[tilespmem:$0x8330] =	vst v1  }
0x6a: {  	[tilespmem:$0x8320] =	vst v1  }
0x6b: {  	[tilespmem:$0x8310] =	vst v1  }
0x6c: {  	[tilespmem:$0x8300] =	vst v1  }
0x6d: {  	[tilespmem:$0x82F0] =	vst v1  }
0x6e: {  	[tilespmem:$0x82E0] =	vst v1  }
0x6f: {  	[tilespmem:$0x82D0] =	vst v1  }
0x70: {  	[tilespmem:$0x82C0] =	vst v1  }
0x71: {  	[tilespmem:$0x82B0] =	vst v1  }
0x72: {  	[tilespmem:$0x82A0] =	vst v1  }
0x73: {  	[tilespmem:$0x8290] =	vst v1  }
0x74: {  	[tilespmem:$0x8280] =	vst v1  }
0x75: {  	[tilespmem:$0x8270] =	vst v1  }
0x76: {  	[tilespmem:$0x8260] =	vst v1  }
0x77: {  	[tilespmem:$0x8250] =	vst v1  }
0x78: {  	[tilespmem:$0x8240] =	vst v1  }
0x79: {  	[tilespmem:$0x8230] =	vst v1  }
0x7a: {  	[tilespmem:$0x8220] =	vst v1  }
0x7b: {  	[tilespmem:$0x8210] =	vst v1  }
0x7c: {  	[tilespmem:$0x8200] =	vst v1  }
0x7d: {  	[tilespmem:$0x81F0] =	vst v0  }
0x7e: {  	[tilespmem:$0x8110] =	vst v0  }
0x7f: {  	[spmem:s3] =	stream.linear.scatter [tilespmem:s4], [sflag:$0x2], $0x200, $0x38;
	[tilespmem:$0x8600] =	vst v63  }
0x80: {  	_ =	swait.ge [sflag:s5], $0x200  }
0x81: {  	[sflag:s5] =	ssyncset.done $0x0  }
0x82: {  	[sflag:s5] =	ssyncadd.s32 $0xFFFFFE00  }
0x83: {  	[tilespmem:s2], [sflag:$0x2] =	stream.linear.gather [hbm4b:s6+s2], $0x100, $0x38;
	[tilespmem:$0x8600] =	vst v63  }
0x84: {  	_ =	swait.ge [sflag:s5], $0x100  }
0x85: {  	[sflag:s5] =	ssyncset.done $0x0  }
0x86: {  	[sflag:s5] =	ssyncadd.s32 $0xFFFFFF00  }
0x87: {  	[tilespmem:s8], [sflag:$0x1] =	stream.indirect.gather [hbm4b:s7+s8], $0x80, s2, s8, $0xb8;
	[tilespmem:$0x8600] =	vst v63  }
0x88: {  	_ =	swait.ge [sflag:s9], $0x8000  }
0x89: {  	[sflag:s9] =	ssyncset.done $0x0  }
0x8a: {  	[sflag:s9] =	ssyncadd.s32 $0xFFFF8000  }
0x8b: {  	[hbm4b:s10+s2] =	stream.linear.scatter [tilespmem:s8], [sflag:$0x2], $0x8000, $0x38;
	[tilespmem:$0x8600] =	vst v63  }
0x8c: {  	_ =	swait.ge [sflag:s5], $0x8000  }
0x8d: {  	[sflag:s5] =	ssyncset.done $0x0  }
0x8e: {  	[sflag:s5] =	ssyncadd.s32 $0xFFFF8000  }
0x8f: {  	[bflag:$0x0] =	sbarrier.arrive $0xFFFF  }
0x90: {  	[spmem:s1] =	stream.indirect.scatter.add.f32 [tilespmem:s11], [sflag:$0x2], $0x1, s2, s8, $0xb8;
	[tilespmem:$0x8600] =	vst v63  }
0x91: {  	_ =	swait.ge [sflag:s5], $0x100  }
0x92: {  	[sflag:s5] =	ssyncset.done $0x0  }
.Ltmp1:
0x93: {  	[sflag:s5] =	ssyncadd.s32 $0xFFFFFF00;
	(pc) =	sbr.rel @p1 .LBB2_1-.Ltmp1, $4  }
0x94: {  	[bflag:$0x0] =	sbarrier.arrive $0xFFFF  }
0x95: {  	[hbm:s12], [sflag:s16] =	dma.local @!p0 [spmem:s13], $0x400  }
0x96: {  	_ =	swait.ge @!p0 [sflag:s14], $0x400  }
0x97: {  	[sflag:s14] =	ssyncset.done @!p0 $0x0  }
.LBB2_2:
0x98: {  	[sflag:s14] =	ssyncadd.s32 @!p0 $0xFFFFFC00  }
0x99: {  	_ =	sfence.sel $0x180000  }
0x9a: {  	[bflag:$0x0] =	sbarrier.arrive $0xFFFF  }
0x9b: {  	_ =	strace $0x90000047  }
0x9c: {  	s0 =	sadd.s32 @!p0 $0x100000, s0;
	[bflag:$0x2] =	sbarrier.arrive $0xFFFF  }
0x9d: {  	[sflag:s0] =	ssyncadd.tile.s32 @!p0 $0x1;
	_ =	shalt  }
.Lfunc_end2:
_tile_overlayer_lowered:
.L_overlay_start_2:
0x9e: {  	(tag) =	ssettag $0x2  }
0x9f: {  	s0 =	rddreg [dreg:$0x0];
	s2 =	stileid.u32  }
0xa0: {  	s1 =	rddreg [dreg:$0x1];
	p0 =	sne.s32 s2, $0x0  }
0xa1: {  	s3 =	rddreg [dreg:$0x2];
	[bflag:$0x3] =	sbarrier.arrive $0xFFFF;
	s2 =	simm.s32 @!p0 $0x1C02  }
0xa2: {  	[timem:s3], [sflag:s2] =	dma.local @!p0 [hbm:s0], s1  }
0xa3: {  	s0 =	simm.s32 @!p0 $0x2  }
0xa4: {  	_ =	swait.ge @!p0 [sflag:s0], s1  }
0xa5: {  	s1 =	ssub.s32 @!p0 $0x0, s1;
	[sflag:s0] =	ssyncset.done @!p0 $0x0  }
0xa6: {  	[sflag:s0] =	ssyncadd.s32 @!p0 s1  }
0xa7: {  	[bflag:$0x3] =	sbarrier.arrive $0xFFFF  }
0xa8: {  	_ =	shalt  }

</sc_bundles>
